<compile_context>
chip_gen: v7x
topology: tpu7x:2x2x1
jax: 0.10.2.dev20260603
libtpu: 0.0.44.dev20260713+nightly
codegen_flags: <defaults>
</compile_context>

<pallas_src>
import functools

import jax
import jax.numpy as jnp
from jax import lax
from jax.experimental import pallas as pl
from jax.experimental.pallas import tpu as pltpu
from jax.experimental.pallas import tpu_sc as plsc

_NC = 2
_NS = 16
_NW = _NC * _NS
_LANES = 16
_CHUNK = 128
_NBUF = 5

_TC_BLK = 2048


@jax.jit
def _transpose_tc(tokT):
    d, v = tokT.shape
    grid = (v + _TC_BLK - 1) // _TC_BLK

    def body(in_ref, out_ref):
        out_ref[...] = jnp.swapaxes(in_ref[...], 0, 1).reshape(_TC_BLK * d)

    return pl.pallas_call(
        body,
        grid=(grid,),
        in_specs=[pl.BlockSpec((d, _TC_BLK), lambda i: (0, i))],
        out_specs=pl.BlockSpec((_TC_BLK * d,), lambda i: (i,)),
        out_shape=jax.ShapeDtypeStruct((v * d,), jnp.float32),
    )(tokT)


@functools.partial(jax.jit, static_argnames=("b", "n", "d"))
def _embed_sc(x3, tok_table, pos_table, b, n, d):
    total = b * n
    cpw = total // (_NW * _CHUNK)

    mesh = plsc.VectorSubcoreMesh(core_axis_name="c", subcore_axis_name="s")

    @functools.partial(
        pl.kernel,
        mesh=mesh,
        compiler_params=pltpu.CompilerParams(use_tc_tiling_on_sc=False),
        out_type=jax.ShapeDtypeStruct((total, d), jnp.float32),
        scratch_types=[
            pltpu.VMEM((cpw, _CHUNK), jnp.int32),
            pltpu.VMEM((_NBUF, _CHUNK, d), jnp.float32),
            pltpu.VMEM((2 * n, d), jnp.float32),
            pltpu.SemaphoreType.DMA((_NBUF,)),
            pltpu.SemaphoreType.DMA((_NBUF,)),
        ],
    )
    def k(x_hbm, tok_hbm, pos_hbm, out_hbm, idx_v, rows_v, pos_v, gsem, osem):
        wid = lax.axis_index("s") * _NC + lax.axis_index("c")
        pltpu.sync_copy(pos_hbm, pos_v.at[pl.ds(0, n)])
        pltpu.sync_copy(pos_hbm, pos_v.at[pl.ds(n, n)])
        pltpu.sync_copy(x_hbm.at[wid], idx_v)

        def fire_gather(i, b_):
            pltpu.make_async_copy(
                tok_hbm.at[idx_v.at[i]], rows_v.at[b_], gsem.at[b_]
            ).start()

        def out_slice(i):
            g = wid * cpw + i
            return out_hbm.at[pl.ds(g * _CHUNK, _CHUNK)]

        for b_ in range(_NBUF):
            fire_gather(b_, b_)

        @pl.loop(0, cpw, step=_NBUF)
        def _(i0):
            for b_ in range(_NBUF):
                i = i0 + b_
                pltpu.make_async_copy(
                    tok_hbm.at[idx_v.at[0]], rows_v.at[b_], gsem.at[b_]
                ).wait()
                g = wid * cpw + i
                po = (g * _CHUNK) % n

                @pl.loop(0, _CHUNK)
                def _(r):
                    for c in range(d // _LANES):
                        sl = pl.ds(c * _LANES, _LANES)
                        plsc.addupdate(rows_v.at[b_, r, sl], pos_v[po + r, sl])

                pltpu.make_async_copy(rows_v.at[b_], out_slice(i), osem.at[b_]).start()

                @pl.when(i + _NBUF < cpw)
                def _():
                    pltpu.make_async_copy(
                        rows_v.at[b_], out_slice(0), osem.at[b_]
                    ).wait()
                    fire_gather(i + _NBUF, b_)

        for b_ in range(_NBUF):
            pltpu.make_async_copy(rows_v.at[b_], out_slice(0), osem.at[b_]).wait()

    return k(x3, tok_table, pos_table)


def kernel(x, tok_table, pos_table):
    b, n = x.shape
    v, d = tok_table.shape
    cpw = (b * n) // (_NW * _CHUNK)
    x3 = x.reshape(-1).astype(jnp.int32).reshape(_NW, cpw, _CHUNK)
    tok_flat = lax.optimization_barrier(tok_table.reshape(-1))
    out = _embed_sc(x3, tok_flat.reshape(v, d), pos_table, b, n, d)
    return out.reshape(b, n, d)

# --- scband reference (transcript-rebuilt; emitter-appended) ---
"""Pipeline reference for scband-embed-18107582120685 (READ-ONLY COPY).

The authoritative reference and input builder live on the scoring server;
editing this copy changes nothing except your own understanding.
"""

import jax, jax.numpy as jnp
import numpy as np

VOCAB_SIZE = 1000000
EMBED_SIZE = 64
MAX_CONTEXT_LEN = 200
BATCH = 1024
SEQ = 200

def setup_inputs(seed: int = 0) -> dict:
    key = jax.random.key(seed)
    k1, k2, k3 = jax.random.split(key, 3)
    x = jax.random.randint(k1, (BATCH, SEQ), 0, VOCAB_SIZE, dtype=jnp.int64 if jax.config.jax_enable_x64 else jnp.int32)
    tok_table = jax.random.normal(k2, (VOCAB_SIZE, EMBED_SIZE), dtype=jnp.float32) * 0.02
    pos_table = jax.random.normal(k3, (MAX_CONTEXT_LEN, EMBED_SIZE), dtype=jnp.float32) * 0.02
    return {"x": x, "tok_table": tok_table, "pos_table": pos_table}

def reference(x, tok_table, pos_table):
    b, n = x.shape
    tok_embeddings = jnp.take(tok_table, x, axis=0)
    pos_idx = jnp.arange(n)
    pos_embeddings = jnp.take(pos_table, pos_idx, axis=0)
    return tok_embeddings + pos_embeddings[None, :, :]

if __name__ == "__main__":
    import jax
    _d = setup_inputs()
    print(jax.jit(kernel)(*tuple(_d.values())))

</pallas_src>

<mosaic_0001>
#map = affine_map<(d0, d1) -> (0, 0, 0)>
#map1 = affine_map<(d0, d1) -> (0, 0)>
module attributes {stable_mosaic.version = 14 : i64} {
  func.func @k(%arg0: i32, %arg1: i32, %arg2: memref<32x50x128xi32, #tpu.memory_space<hbm>>, %arg3: memref<1000000x64xf32, #tpu.memory_space<hbm>>, %arg4: memref<200x64xf32, #tpu.memory_space<hbm>>, %arg5: memref<204800x64xf32, #tpu.memory_space<hbm>>, %arg6: memref<50x128xi32, #tpu.memory_space<vmem>>, %arg7: memref<5x128x64xf32, #tpu.memory_space<vmem>>, %arg8: memref<400x64xf32, #tpu.memory_space<vmem>>, %arg9: memref<5x!tpu.dma_semaphore, #tpu.memory_space<semaphore_mem>>, %arg10: memref<5x!tpu.dma_semaphore, #tpu.memory_space<semaphore_mem>>) attributes {dimension_semantics = [#tpu.dimension_semantics<core_parallel>, #tpu.dimension_semantics<subcore_parallel>], iteration_bounds = array<i64: 2, 16>, scalar_prefetch = 0 : i64, scratch_operands = 5 : i64, tpu.core_type = #tpu.core_type<sc_vector_subcore>, window_params = [{transform_indices = #map}, {transform_indices = #map1}, {transform_indices = #map1}, {transform_indices = #map1}]} {
    %mul3A = arith.constant 2 : i32
    %mul3A_0 = arith.muli %arg1, %mul3A : i32
    %add3A = arith.addi %mul3A_0, %arg0 : i32
    "tpu.region"() ({
      %run_scoped3A = tpu.sem_alloc : memref<!tpu.dma_semaphore, #tpu.memory_space<semaphore_mem>>
      %dma_start3A_188 = arith.constant 0 : i32
      %dma_start3A_189 = arith.constant 0 : i32
      %dma_start3A_190 = tpu.memref_slice %arg8[%dma_start3A_188, %dma_start3A_189] : memref<400x64xf32, #tpu.memory_space<vmem>> -> memref<200x64xf32, #tpu.memory_space<vmem>>
      %dma_start3A_191 = arith.constant 0 : i32
      %dma_start3A_192 = arith.constant 0 : i32
      %dma_start3A_193 = tpu.memref_slice %arg8[%dma_start3A_191, %dma_start3A_192] : memref<400x64xf32, #tpu.memory_space<vmem>> -> memref<200x64xf32, #tpu.memory_space<vmem>>
      tpu.enqueue_dma source(%arg4 : memref<200x64xf32, #tpu.memory_space<hbm>>) target(%dma_start3A_193 : memref<200x64xf32, #tpu.memory_space<vmem>>) target_semaphore(%run_scoped3A : memref<!tpu.dma_semaphore, #tpu.memory_space<semaphore_mem>>)
      %dma_wait3A_194 = arith.constant 0 : i32
      %dma_wait3A_195 = arith.constant 0 : i32
      %dma_wait3A_196 = tpu.memref_slice %arg8[%dma_wait3A_194, %dma_wait3A_195] : memref<400x64xf32, #tpu.memory_space<vmem>> -> memref<200x64xf32, #tpu.memory_space<vmem>>
      %dma_wait3A_197 = arith.constant 0 : i32
      %dma_wait3A_198 = arith.constant 0 : i32
      %dma_wait3A_199 = tpu.memref_slice %arg8[%dma_wait3A_197, %dma_wait3A_198] : memref<400x64xf32, #tpu.memory_space<vmem>> -> memref<200x64xf32, #tpu.memory_space<vmem>>
      tpu.wait_dma2 semaphore(%run_scoped3A : memref<!tpu.dma_semaphore, #tpu.memory_space<semaphore_mem>>) src(%arg4 : memref<200x64xf32, #tpu.memory_space<hbm>>) dst(%dma_wait3A_199 : memref<200x64xf32, #tpu.memory_space<vmem>>)
      tpu.yield
    }) : () -> ()
    "tpu.region"() ({
      %run_scoped3A = tpu.sem_alloc : memref<!tpu.dma_semaphore, #tpu.memory_space<semaphore_mem>>
      %dma_start3A_188 = arith.constant 200 : i32
      %dma_start3A_189 = arith.constant 0 : i32
      %dma_start3A_190 = tpu.memref_slice %arg8[%dma_start3A_188, %dma_start3A_189] : memref<400x64xf32, #tpu.memory_space<vmem>> -> memref<200x64xf32, #tpu.memory_space<vmem>>
      %dma_start3A_191 = arith.constant 200 : i32
      %dma_start3A_192 = arith.constant 0 : i32
      %dma_start3A_193 = tpu.memref_slice %arg8[%dma_start3A_191, %dma_start3A_192] : memref<400x64xf32, #tpu.memory_space<vmem>> -> memref<200x64xf32, #tpu.memory_space<vmem>>
      tpu.enqueue_dma source(%arg4 : memref<200x64xf32, #tpu.memory_space<hbm>>) target(%dma_start3A_193 : memref<200x64xf32, #tpu.memory_space<vmem>>) target_semaphore(%run_scoped3A : memref<!tpu.dma_semaphore, #tpu.memory_space<semaphore_mem>>)
      %dma_wait3A_194 = arith.constant 200 : i32
      %dma_wait3A_195 = arith.constant 0 : i32
      %dma_wait3A_196 = tpu.memref_slice %arg8[%dma_wait3A_194, %dma_wait3A_195] : memref<400x64xf32, #tpu.memory_space<vmem>> -> memref<200x64xf32, #tpu.memory_space<vmem>>
      %dma_wait3A_197 = arith.constant 200 : i32
      %dma_wait3A_198 = arith.constant 0 : i32
      %dma_wait3A_199 = tpu.memref_slice %arg8[%dma_wait3A_197, %dma_wait3A_198] : memref<400x64xf32, #tpu.memory_space<vmem>> -> memref<200x64xf32, #tpu.memory_space<vmem>>
      tpu.wait_dma2 semaphore(%run_scoped3A : memref<!tpu.dma_semaphore, #tpu.memory_space<semaphore_mem>>) src(%arg4 : memref<200x64xf32, #tpu.memory_space<hbm>>) dst(%dma_wait3A_199 : memref<200x64xf32, #tpu.memory_space<vmem>>)
      tpu.yield
    }) : () -> ()
    "tpu.region"() ({
      %run_scoped3A = tpu.sem_alloc : memref<!tpu.dma_semaphore, #tpu.memory_space<semaphore_mem>>
      %dma_start3A_188 = arith.constant 0 : i32
      %dma_start3A_189 = arith.constant 0 : i32
      %dma_start3A_190 = tpu.memref_slice %arg2[%add3A, %dma_start3A_188, %dma_start3A_189] : memref<32x50x128xi32, #tpu.memory_space<hbm>> -> memref<1x50x128xi32, #tpu.memory_space<hbm>>
      %dma_start3A_191 = tpu.memref_squeeze %dma_start3A_190 : memref<1x50x128xi32, #tpu.memory_space<hbm>> -> memref<50x128xi32, #tpu.memory_space<hbm>>
      %dma_start3A_192 = arith.constant 0 : i32
      %dma_start3A_193 = arith.constant 0 : i32
      %dma_start3A_194 = tpu.memref_slice %arg2[%add3A, %dma_start3A_192, %dma_start3A_193] : memref<32x50x128xi32, #tpu.memory_space<hbm>> -> memref<1x50x128xi32, #tpu.memory_space<hbm>>
      %dma_start3A_195 = tpu.memref_squeeze %dma_start3A_194 : memref<1x50x128xi32, #tpu.memory_space<hbm>> -> memref<50x128xi32, #tpu.memory_space<hbm>>
      tpu.enqueue_dma source(%dma_start3A_195 : memref<50x128xi32, #tpu.memory_space<hbm>>) target(%arg6 : memref<50x128xi32, #tpu.memory_space<vmem>>) target_semaphore(%run_scoped3A : memref<!tpu.dma_semaphore, #tpu.memory_space<semaphore_mem>>)
      %dma_wait3A_196 = arith.constant 0 : i32
      %dma_wait3A_197 = arith.constant 0 : i32
      %dma_wait3A_198 = tpu.memref_slice %arg2[%add3A, %dma_wait3A_196, %dma_wait3A_197] : memref<32x50x128xi32, #tpu.memory_space<hbm>> -> memref<1x50x128xi32, #tpu.memory_space<hbm>>
      %dma_wait3A_199 = tpu.memref_squeeze %dma_wait3A_198 : memref<1x50x128xi32, #tpu.memory_space<hbm>> -> memref<50x128xi32, #tpu.memory_space<hbm>>
      %dma_wait3A_200 = arith.constant 0 : i32
      %dma_wait3A_201 = arith.constant 0 : i32
      %dma_wait3A_202 = tpu.memref_slice %arg2[%add3A, %dma_wait3A_200, %dma_wait3A_201] : memref<32x50x128xi32, #tpu.memory_space<hbm>> -> memref<1x50x128xi32, #tpu.memory_space<hbm>>
      %dma_wait3A_203 = tpu.memref_squeeze %dma_wait3A_202 : memref<1x50x128xi32, #tpu.memory_space<hbm>> -> memref<50x128xi32, #tpu.memory_space<hbm>>
      tpu.wait_dma2 semaphore(%run_scoped3A : memref<!tpu.dma_semaphore, #tpu.memory_space<semaphore_mem>>) src(%dma_wait3A_203 : memref<50x128xi32, #tpu.memory_space<hbm>>) dst(%arg6 : memref<50x128xi32, #tpu.memory_space<vmem>>)
      tpu.yield
    }) : () -> ()
    %dma_start3A = arith.constant 0 : i32
    %dma_start3A_1 = arith.constant 0 : i32
    %dma_start3A_2 = arith.constant 0 : i32
    %dma_start3A_3 = arith.constant 0 : i32
    %dma_start3A_4 = arith.constant 0 : i32
    %dma_start3A_5 = tpu.memref_slice %arg7[%dma_start3A_1, %dma_start3A_3, %dma_start3A_4] : memref<5x128x64xf32, #tpu.memory_space<vmem>> -> memref<1x128x64xf32, #tpu.memory_space<vmem>>
    %dma_start3A_6 = tpu.memref_squeeze %dma_start3A_5 : memref<1x128x64xf32, #tpu.memory_space<vmem>> -> memref<128x64xf32, #tpu.memory_space<vmem>>
    %dma_start3A_7 = arith.constant 0 : i32
    %dma_start3A_8 = tpu.memref_slice %arg6[%dma_start3A, %dma_start3A_7] : memref<50x128xi32, #tpu.memory_space<vmem>> -> memref<1x128xi32, #tpu.memory_space<vmem>>
    %dma_start3A_9 = tpu.memref_squeeze %dma_start3A_8 : memref<1x128xi32, #tpu.memory_space<vmem>> -> memref<128xi32, #tpu.memory_space<vmem>>
    %dma_start3A_10 = arith.constant 0 : i32
    %dma_start3A_11 = arith.constant 0 : i32
    %dma_start3A_12 = tpu.memref_slice %arg3[%dma_start3A_10, %dma_start3A_11] : memref<1000000x64xf32, #tpu.memory_space<hbm>> -> memref<1000000x64xf32, #tpu.memory_space<hbm>>
    %dma_start3A_13 = tpu.memref_slice %arg9[%dma_start3A_2] : memref<5x!tpu.dma_semaphore, #tpu.memory_space<semaphore_mem>> -> memref<1x!tpu.dma_semaphore, #tpu.memory_space<semaphore_mem>>
    %dma_start3A_14 = tpu.memref_squeeze %dma_start3A_13 : memref<1x!tpu.dma_semaphore, #tpu.memory_space<semaphore_mem>> -> memref<!tpu.dma_semaphore, #tpu.memory_space<semaphore_mem>>
    tpu.enqueue_indirect_dma source(%dma_start3A_12 : memref<1000000x64xf32, #tpu.memory_space<hbm>>) target(%dma_start3A_6 : memref<128x64xf32, #tpu.memory_space<vmem>>) offsets(%dma_start3A_9 : memref<128xi32, #tpu.memory_space<vmem>>) semaphore(%dma_start3A_14 : memref<!tpu.dma_semaphore, #tpu.memory_space<semaphore_mem>>)
    %dma_start3A_15 = arith.constant 1 : i32
    %dma_start3A_16 = arith.constant 1 : i32
    %dma_start3A_17 = arith.constant 1 : i32
    %dma_start3A_18 = arith.constant 0 : i32
    %dma_start3A_19 = arith.constant 0 : i32
    %dma_start3A_20 = tpu.memref_slice %arg7[%dma_start3A_16, %dma_start3A_18, %dma_start3A_19] : memref<5x128x64xf32, #tpu.memory_space<vmem>> -> memref<1x128x64xf32, #tpu.memory_space<vmem>>
    %dma_start3A_21 = tpu.memref_squeeze %dma_start3A_20 : memref<1x128x64xf32, #tpu.memory_space<vmem>> -> memref<128x64xf32, #tpu.memory_space<vmem>>
    %dma_start3A_22 = arith.constant 0 : i32
    %dma_start3A_23 = tpu.memref_slice %arg6[%dma_start3A_15, %dma_start3A_22] : memref<50x128xi32, #tpu.memory_space<vmem>> -> memref<1x128xi32, #tpu.memory_space<vmem>>
    %dma_start3A_24 = tpu.memref_squeeze %dma_start3A_23 : memref<1x128xi32, #tpu.memory_space<vmem>> -> memref<128xi32, #tpu.memory_space<vmem>>
    %dma_start3A_25 = arith.constant 0 : i32
    %dma_start3A_26 = arith.constant 0 : i32
    %dma_start3A_27 = tpu.memref_slice %arg3[%dma_start3A_25, %dma_start3A_26] : memref<1000000x64xf32, #tpu.memory_space<hbm>> -> memref<1000000x64xf32, #tpu.memory_space<hbm>>
    %dma_start3A_28 = tpu.memref_slice %arg9[%dma_start3A_17] : memref<5x!tpu.dma_semaphore, #tpu.memory_space<semaphore_mem>> -> memref<1x!tpu.dma_semaphore, #tpu.memory_space<semaphore_mem>>
    %dma_start3A_29 = tpu.memref_squeeze %dma_start3A_28 : memref<1x!tpu.dma_semaphore, #tpu.memory_space<semaphore_mem>> -> memref<!tpu.dma_semaphore, #tpu.memory_space<semaphore_mem>>
    tpu.enqueue_indirect_dma source(%dma_start3A_27 : memref<1000000x64xf32, #tpu.memory_space<hbm>>) target(%dma_start3A_21 : memref<128x64xf32, #tpu.memory_space<vmem>>) offsets(%dma_start3A_24 : memref<128xi32, #tpu.memory_space<vmem>>) semaphore(%dma_start3A_29 : memref<!tpu.dma_semaphore, #tpu.memory_space<semaphore_mem>>)
    %dma_start3A_30 = arith.constant 2 : i32
    %dma_start3A_31 = arith.constant 2 : i32
    %dma_start3A_32 = arith.constant 2 : i32
    %dma_start3A_33 = arith.constant 0 : i32
    %dma_start3A_34 = arith.constant 0 : i32
    %dma_start3A_35 = tpu.memref_slice %arg7[%dma_start3A_31, %dma_start3A_33, %dma_start3A_34] : memref<5x128x64xf32, #tpu.memory_space<vmem>> -> memref<1x128x64xf32, #tpu.memory_space<vmem>>
    %dma_start3A_36 = tpu.memref_squeeze %dma_start3A_35 : memref<1x128x64xf32, #tpu.memory_space<vmem>> -> memref<128x64xf32, #tpu.memory_space<vmem>>
    %dma_start3A_37 = arith.constant 0 : i32
    %dma_start3A_38 = tpu.memref_slice %arg6[%dma_start3A_30, %dma_start3A_37] : memref<50x128xi32, #tpu.memory_space<vmem>> -> memref<1x128xi32, #tpu.memory_space<vmem>>
    %dma_start3A_39 = tpu.memref_squeeze %dma_start3A_38 : memref<1x128xi32, #tpu.memory_space<vmem>> -> memref<128xi32, #tpu.memory_space<vmem>>
    %dma_start3A_40 = arith.constant 0 : i32
    %dma_start3A_41 = arith.constant 0 : i32
    %dma_start3A_42 = tpu.memref_slice %arg3[%dma_start3A_40, %dma_start3A_41] : memref<1000000x64xf32, #tpu.memory_space<hbm>> -> memref<1000000x64xf32, #tpu.memory_space<hbm>>
    %dma_start3A_43 = tpu.memref_slice %arg9[%dma_start3A_32] : memref<5x!tpu.dma_semaphore, #tpu.memory_space<semaphore_mem>> -> memref<1x!tpu.dma_semaphore, #tpu.memory_space<semaphore_mem>>
    %dma_start3A_44 = tpu.memref_squeeze %dma_start3A_43 : memref<1x!tpu.dma_semaphore, #tpu.memory_space<semaphore_mem>> -> memref<!tpu.dma_semaphore, #tpu.memory_space<semaphore_mem>>
    tpu.enqueue_indirect_dma source(%dma_start3A_42 : memref<1000000x64xf32, #tpu.memory_space<hbm>>) target(%dma_start3A_36 : memref<128x64xf32, #tpu.memory_space<vmem>>) offsets(%dma_start3A_39 : memref<128xi32, #tpu.memory_space<vmem>>) semaphore(%dma_start3A_44 : memref<!tpu.dma_semaphore, #tpu.memory_space<semaphore_mem>>)
    %dma_start3A_45 = arith.constant 3 : i32
    %dma_start3A_46 = arith.constant 3 : i32
    %dma_start3A_47 = arith.constant 3 : i32
    %dma_start3A_48 = arith.constant 0 : i32
    %dma_start3A_49 = arith.constant 0 : i32
    %dma_start3A_50 = tpu.memref_slice %arg7[%dma_start3A_46, %dma_start3A_48, %dma_start3A_49] : memref<5x128x64xf32, #tpu.memory_space<vmem>> -> memref<1x128x64xf32, #tpu.memory_space<vmem>>
    %dma_start3A_51 = tpu.memref_squeeze %dma_start3A_50 : memref<1x128x64xf32, #tpu.memory_space<vmem>> -> memref<128x64xf32, #tpu.memory_space<vmem>>
    %dma_start3A_52 = arith.constant 0 : i32
    %dma_start3A_53 = tpu.memref_slice %arg6[%dma_start3A_45, %dma_start3A_52] : memref<50x128xi32, #tpu.memory_space<vmem>> -> memref<1x128xi32, #tpu.memory_space<vmem>>
    %dma_start3A_54 = tpu.memref_squeeze %dma_start3A_53 : memref<1x128xi32, #tpu.memory_space<vmem>> -> memref<128xi32, #tpu.memory_space<vmem>>
    %dma_start3A_55 = arith.constant 0 : i32
    %dma_start3A_56 = arith.constant 0 : i32
    %dma_start3A_57 = tpu.memref_slice %arg3[%dma_start3A_55, %dma_start3A_56] : memref<1000000x64xf32, #tpu.memory_space<hbm>> -> memref<1000000x64xf32, #tpu.memory_space<hbm>>
    %dma_start3A_58 = tpu.memref_slice %arg9[%dma_start3A_47] : memref<5x!tpu.dma_semaphore, #tpu.memory_space<semaphore_mem>> -> memref<1x!tpu.dma_semaphore, #tpu.memory_space<semaphore_mem>>
    %dma_start3A_59 = tpu.memref_squeeze %dma_start3A_58 : memref<1x!tpu.dma_semaphore, #tpu.memory_space<semaphore_mem>> -> memref<!tpu.dma_semaphore, #tpu.memory_space<semaphore_mem>>
    tpu.enqueue_indirect_dma source(%dma_start3A_57 : memref<1000000x64xf32, #tpu.memory_space<hbm>>) target(%dma_start3A_51 : memref<128x64xf32, #tpu.memory_space<vmem>>) offsets(%dma_start3A_54 : memref<128xi32, #tpu.memory_space<vmem>>) semaphore(%dma_start3A_59 : memref<!tpu.dma_semaphore, #tpu.memory_space<semaphore_mem>>)
    %dma_start3A_60 = arith.constant 4 : i32
    %dma_start3A_61 = arith.constant 4 : i32
    %dma_start3A_62 = arith.constant 4 : i32
    %dma_start3A_63 = arith.constant 0 : i32
    %dma_start3A_64 = arith.constant 0 : i32
    %dma_start3A_65 = tpu.memref_slice %arg7[%dma_start3A_61, %dma_start3A_63, %dma_start3A_64] : memref<5x128x64xf32, #tpu.memory_space<vmem>> -> memref<1x128x64xf32, #tpu.memory_space<vmem>>
    %dma_start3A_66 = tpu.memref_squeeze %dma_start3A_65 : memref<1x128x64xf32, #tpu.memory_space<vmem>> -> memref<128x64xf32, #tpu.memory_space<vmem>>
    %dma_start3A_67 = arith.constant 0 : i32
    %dma_start3A_68 = tpu.memref_slice %arg6[%dma_start3A_60, %dma_start3A_67] : memref<50x128xi32, #tpu.memory_space<vmem>> -> memref<1x128xi32, #tpu.memory_space<vmem>>
    %dma_start3A_69 = tpu.memref_squeeze %dma_start3A_68 : memref<1x128xi32, #tpu.memory_space<vmem>> -> memref<128xi32, #tpu.memory_space<vmem>>
    %dma_start3A_70 = arith.constant 0 : i32
    %dma_start3A_71 = arith.constant 0 : i32
    %dma_start3A_72 = tpu.memref_slice %arg3[%dma_start3A_70, %dma_start3A_71] : memref<1000000x64xf32, #tpu.memory_space<hbm>> -> memref<1000000x64xf32, #tpu.memory_space<hbm>>
    %dma_start3A_73 = tpu.memref_slice %arg9[%dma_start3A_62] : memref<5x!tpu.dma_semaphore, #tpu.memory_space<semaphore_mem>> -> memref<1x!tpu.dma_semaphore, #tpu.memory_space<semaphore_mem>>
    %dma_start3A_74 = tpu.memref_squeeze %dma_start3A_73 : memref<1x!tpu.dma_semaphore, #tpu.memory_space<semaphore_mem>> -> memref<!tpu.dma_semaphore, #tpu.memory_space<semaphore_mem>>
    tpu.enqueue_indirect_dma source(%dma_start3A_72 : memref<1000000x64xf32, #tpu.memory_space<hbm>>) target(%dma_start3A_66 : memref<128x64xf32, #tpu.memory_space<vmem>>) offsets(%dma_start3A_69 : memref<128xi32, #tpu.memory_space<vmem>>) semaphore(%dma_start3A_74 : memref<!tpu.dma_semaphore, #tpu.memory_space<semaphore_mem>>)
    %scan3A = arith.constant 0 : i32
    %scan3A_75 = arith.constant 10 : i32
    %scan3A_76 = arith.addi %scan3A, %scan3A_75 : i32
    %scan3A_77 = arith.constant 1 : i32
    scf.for %scan3A_188 = %scan3A to %scan3A_76 step %scan3A_77  : i32 {
      %mul3A_189 = arith.constant 5 : i32
      %mul3A_190 = arith.muli %scan3A_188, %mul3A_189 : i32
      %add3A_191 = arith.constant 0 : i32
      %add3A_192 = arith.addi %add3A_191, %mul3A_190 : i32
      %add3A_193 = arith.constant 0 : i32
      %add3A_194 = arith.addi %add3A_192, %add3A_193 : i32
      %dma_wait3A_195 = arith.constant 0 : i32
      %dma_wait3A_196 = arith.constant 0 : i32
      %dma_wait3A_197 = arith.constant 0 : i32
      %dma_wait3A_198 = arith.constant 0 : i32
      %dma_wait3A_199 = arith.constant 0 : i32
      %dma_wait3A_200 = tpu.memref_slice %arg7[%dma_wait3A_196, %dma_wait3A_198, %dma_wait3A_199] : memref<5x128x64xf32, #tpu.memory_space<vmem>> -> memref<1x128x64xf32, #tpu.memory_space<vmem>>
      %dma_wait3A_201 = tpu.memref_squeeze %dma_wait3A_200 : memref<1x128x64xf32, #tpu.memory_space<vmem>> -> memref<128x64xf32, #tpu.memory_space<vmem>>
      %dma_wait3A_202 = arith.constant 0 : i32
      %dma_wait3A_203 = tpu.memref_slice %arg6[%dma_wait3A_195, %dma_wait3A_202] : memref<50x128xi32, #tpu.memory_space<vmem>> -> memref<1x128xi32, #tpu.memory_space<vmem>>
      %dma_wait3A_204 = tpu.memref_squeeze %dma_wait3A_203 : memref<1x128xi32, #tpu.memory_space<vmem>> -> memref<128xi32, #tpu.memory_space<vmem>>
      %dma_wait3A_205 = arith.constant 0 : i32
      %dma_wait3A_206 = arith.constant 0 : i32
      %dma_wait3A_207 = tpu.memref_slice %arg3[%dma_wait3A_205, %dma_wait3A_206] : memref<1000000x64xf32, #tpu.memory_space<hbm>> -> memref<1000000x64xf32, #tpu.memory_space<hbm>>
      %dma_wait3A_208 = tpu.memref_slice %arg9[%dma_wait3A_197] : memref<5x!tpu.dma_semaphore, #tpu.memory_space<semaphore_mem>> -> memref<1x!tpu.dma_semaphore, #tpu.memory_space<semaphore_mem>>
      %dma_wait3A_209 = tpu.memref_squeeze %dma_wait3A_208 : memref<1x!tpu.dma_semaphore, #tpu.memory_space<semaphore_mem>> -> memref<!tpu.dma_semaphore, #tpu.memory_space<semaphore_mem>>
      tpu.wait_indirect_dma semaphore(%dma_wait3A_209 : memref<!tpu.dma_semaphore, #tpu.memory_space<semaphore_mem>>) src(%dma_wait3A_207 : memref<1000000x64xf32, #tpu.memory_space<hbm>>) dst(%dma_wait3A_201 : memref<128x64xf32, #tpu.memory_space<vmem>>)
      %mul3A_210 = arith.constant 50 : i32
      %mul3A_211 = arith.muli %add3A, %mul3A_210 : i32
      %add3A_212 = arith.addi %mul3A_211, %add3A_194 : i32
      %mul3A_213 = arith.constant 128 : i32
      %mul3A_214 = arith.muli %add3A_212, %mul3A_213 : i32
      %jit3A = arith.constant 200 : i32
      %eq3A = arith.constant 0 : i32
      %eq3A_215 = arith.cmpi eq, %jit3A, %eq3A : i32
      %jit3A_216 = arith.constant 1 : i32
      %select_n3A = arith.select %eq3A_215, %jit3A_216, %jit3A : i32
      %rem3A = arith.remsi %mul3A_214, %select_n3A : i32
      %ne3A = arith.constant 0 : i32
      %ne3A_217 = arith.cmpi ne, %rem3A, %ne3A : i32
      %lt3A = arith.constant 0 : i32
      %lt3A_218 = arith.cmpi slt, %rem3A, %lt3A : i32
      %lt3A_219 = arith.constant 0 : i32
      %lt3A_220 = arith.cmpi slt, %select_n3A, %lt3A_219 : i32
      %ne3A_221 = arith.xori %lt3A_218, %lt3A_220 : i1
      %and3A = arith.andi %ne3A_221, %ne3A_217 : i1
      %add3A_222 = arith.addi %rem3A, %select_n3A : i32
      %select_n3A_223 = arith.select %and3A, %add3A_222, %rem3A : i32
      %scan3A_224 = arith.constant 0 : i32
      %scan3A_225 = arith.constant 128 : i32
      %scan3A_226 = arith.addi %scan3A_224, %scan3A_225 : i32
      %scan3A_227 = arith.constant 1 : i32
      scf.for %scan3A_539 = %scan3A_224 to %scan3A_226 step %scan3A_227  : i32 {
        %mul3A_540 = arith.constant 1 : i32
        %mul3A_541 = arith.muli %scan3A_539, %mul3A_540 : i32
        %add3A_542 = arith.constant 0 : i32
        %add3A_543 = arith.addi %add3A_542, %mul3A_541 : i32
        %add3A_544 = arith.addi %select_n3A_223, %add3A_543 : i32
        %get3A = arith.index_cast %add3A_544 : i32 to index
        %get3A_545 = arith.constant 0 : index
        %get3A_546 = tpu.vector_load %arg8[%get3A, %get3A_545] {strides = array<i32>} : memref<400x64xf32, #tpu.memory_space<vmem>>, vector<1x16xf32>,
        %get3A_547 = vector.shape_cast %get3A_546 : vector<1x16xf32> to vector<16xf32>
        %swap3A = arith.constant 0 : i32
        %swap3A_548 = arith.index_cast %swap3A : i32 to index
        %swap3A_549 = arith.index_cast %add3A_543 : i32 to index
        %swap3A_550 = arith.constant 0 : index
        %swap3A_551 = tpu.vector_load %arg7[%swap3A_548, %swap3A_549, %swap3A_550] {strides = array<i32>} : memref<5x128x64xf32, #tpu.memory_space<vmem>>, vector<1x1x16xf32>,
        %swap3A_552 = vector.shape_cast %swap3A_551 : vector<1x1x16xf32> to vector<16xf32>
        %swap3A_553 = vector.shape_cast %get3A_547 : vector<16xf32> to vector<1x1x16xf32>
        tpu.vector_store %arg7[%swap3A_548, %swap3A_549, %swap3A_550], %swap3A_553 {add = true, strides = array<i32>} : memref<5x128x64xf32, #tpu.memory_space<vmem>>, vector<1x1x16xf32>,
        %add3A_554 = arith.addi %select_n3A_223, %add3A_543 : i32
        %get3A_555 = arith.index_cast %add3A_554 : i32 to index
        %get3A_556 = arith.constant 16 : index
        %get3A_557 = tpu.vector_load %arg8[%get3A_555, %get3A_556] {strides = array<i32>} : memref<400x64xf32, #tpu.memory_space<vmem>>, vector<1x16xf32>,
        %get3A_558 = vector.shape_cast %get3A_557 : vector<1x16xf32> to vector<16xf32>
        %swap3A_559 = arith.constant 0 : i32
        %swap3A_560 = arith.index_cast %swap3A_559 : i32 to index
        %swap3A_561 = arith.index_cast %add3A_543 : i32 to index
        %swap3A_562 = arith.constant 16 : index
        %swap3A_563 = tpu.vector_load %arg7[%swap3A_560, %swap3A_561, %swap3A_562] {strides = array<i32>} : memref<5x128x64xf32, #tpu.memory_space<vmem>>, vector<1x1x16xf32>,
        %swap3A_564 = vector.shape_cast %swap3A_563 : vector<1x1x16xf32> to vector<16xf32>
        %swap3A_565 = vector.shape_cast %get3A_558 : vector<16xf32> to vector<1x1x16xf32>
        tpu.vector_store %arg7[%swap3A_560, %swap3A_561, %swap3A_562], %swap3A_565 {add = true, strides = array<i32>} : memref<5x128x64xf32, #tpu.memory_space<vmem>>, vector<1x1x16xf32>,
        %add3A_566 = arith.addi %select_n3A_223, %add3A_543 : i32
        %get3A_567 = arith.index_cast %add3A_566 : i32 to index
        %get3A_568 = arith.constant 32 : index
        %get3A_569 = tpu.vector_load %arg8[%get3A_567, %get3A_568] {strides = array<i32>} : memref<400x64xf32, #tpu.memory_space<vmem>>, vector<1x16xf32>,
        %get3A_570 = vector.shape_cast %get3A_569 : vector<1x16xf32> to vector<16xf32>
        %swap3A_571 = arith.constant 0 : i32
        %swap3A_572 = arith.index_cast %swap3A_571 : i32 to index
        %swap3A_573 = arith.index_cast %add3A_543 : i32 to index
        %swap3A_574 = arith.constant 32 : index
        %swap3A_575 = tpu.vector_load %arg7[%swap3A_572, %swap3A_573, %swap3A_574] {strides = array<i32>} : memref<5x128x64xf32, #tpu.memory_space<vmem>>, vector<1x1x16xf32>,
        %swap3A_576 = vector.shape_cast %swap3A_575 : vector<1x1x16xf32> to vector<16xf32>
        %swap3A_577 = vector.shape_cast %get3A_570 : vector<16xf32> to vector<1x1x16xf32>
        tpu.vector_store %arg7[%swap3A_572, %swap3A_573, %swap3A_574], %swap3A_577 {add = true, strides = array<i32>} : memref<5x128x64xf32, #tpu.memory_space<vmem>>, vector<1x1x16xf32>,
        %add3A_578 = arith.addi %select_n3A_223, %add3A_543 : i32
        %get3A_579 = arith.index_cast %add3A_578 : i32 to index
        %get3A_580 = arith.constant 48 : index
        %get3A_581 = tpu.vector_load %arg8[%get3A_579, %get3A_580] {strides = array<i32>} : memref<400x64xf32, #tpu.memory_space<vmem>>, vector<1x16xf32>,
        %get3A_582 = vector.shape_cast %get3A_581 : vector<1x16xf32> to vector<16xf32>
        %swap3A_583 = arith.constant 0 : i32
        %swap3A_584 = arith.index_cast %swap3A_583 : i32 to index
        %swap3A_585 = arith.index_cast %add3A_543 : i32 to index
        %swap3A_586 = arith.constant 48 : index
        %swap3A_587 = tpu.vector_load %arg7[%swap3A_584, %swap3A_585, %swap3A_586] {strides = array<i32>} : memref<5x128x64xf32, #tpu.memory_space<vmem>>, vector<1x1x16xf32>,
        %swap3A_588 = vector.shape_cast %swap3A_587 : vector<1x1x16xf32> to vector<16xf32>
        %swap3A_589 = vector.shape_cast %get3A_582 : vector<16xf32> to vector<1x1x16xf32>
        tpu.vector_store %arg7[%swap3A_584, %swap3A_585, %swap3A_586], %swap3A_589 {add = true, strides = array<i32>} : memref<5x128x64xf32, #tpu.memory_space<vmem>>, vector<1x1x16xf32>,
      }
      %scan3A_228 = arith.constant 128 : i32
      %mul3A_229 = arith.constant 50 : i32
      %mul3A_230 = arith.muli %add3A, %mul3A_229 : i32
      %add3A_231 = arith.addi %mul3A_230, %add3A_194 : i32
      %mul3A_232 = arith.constant 128 : i32
      %mul3A_233 = arith.muli %add3A_231, %mul3A_232 : i32
      %dma_start3A_234 = arith.constant 0 : i32
      %dma_start3A_235 = arith.constant 0 : i32
      %dma_start3A_236 = arith.constant 0 : i32
      %dma_start3A_237 = arith.constant 0 : i32
      %dma_start3A_238 = tpu.memref_slice %arg7[%dma_start3A_234, %dma_start3A_236, %dma_start3A_237] : memref<5x128x64xf32, #tpu.memory_space<vmem>> -> memref<1x128x64xf32, #tpu.memory_space<vmem>>
      %dma_start3A_239 = tpu.memref_squeeze %dma_start3A_238 : memref<1x128x64xf32, #tpu.memory_space<vmem>> -> memref<128x64xf32, #tpu.memory_space<vmem>>
      %dma_start3A_240 = arith.constant 0 : i32
      %dma_start3A_241 = tpu.memref_slice %arg5[%mul3A_233, %dma_start3A_240] : memref<204800x64xf32, #tpu.memory_space<hbm>> -> memref<128x64xf32, #tpu.memory_space<hbm>>
      %dma_start3A_242 = tpu.memref_slice %arg10[%dma_start3A_235] : memref<5x!tpu.dma_semaphore, #tpu.memory_space<semaphore_mem>> -> memref<1x!tpu.dma_semaphore, #tpu.memory_space<semaphore_mem>>
      %dma_start3A_243 = tpu.memref_squeeze %dma_start3A_242 : memref<1x!tpu.dma_semaphore, #tpu.memory_space<semaphore_mem>> -> memref<!tpu.dma_semaphore, #tpu.memory_space<semaphore_mem>>
      %dma_start3A_244 = arith.constant 0 : i32
      %dma_start3A_245 = tpu.memref_slice %arg5[%mul3A_233, %dma_start3A_244] : memref<204800x64xf32, #tpu.memory_space<hbm>> -> memref<128x64xf32, #tpu.memory_space<hbm>>
      %dma_start3A_246 = arith.constant 0 : i32
      %dma_start3A_247 = arith.constant 0 : i32
      %dma_start3A_248 = tpu.memref_slice %arg7[%dma_start3A_234, %dma_start3A_246, %dma_start3A_247] : memref<5x128x64xf32, #tpu.memory_space<vmem>> -> memref<1x128x64xf32, #tpu.memory_space<vmem>>
      %dma_start3A_249 = tpu.memref_squeeze %dma_start3A_248 : memref<1x128x64xf32, #tpu.memory_space<vmem>> -> memref<128x64xf32, #tpu.memory_space<vmem>>
      tpu.enqueue_dma source(%dma_start3A_249 : memref<128x64xf32, #tpu.memory_space<vmem>>) target(%dma_start3A_245 : memref<128x64xf32, #tpu.memory_space<hbm>>) target_semaphore(%dma_start3A_243 : memref<!tpu.dma_semaphore, #tpu.memory_space<semaphore_mem>>)
      %add3A_250 = arith.constant 5 : i32
      %add3A_251 = arith.addi %add3A_194, %add3A_250 : i32
      %lt3A_252 = arith.constant 50 : i32
      %lt3A_253 = arith.cmpi slt, %add3A_251, %lt3A_252 : i32
      %convert_element_type3A = arith.extui %lt3A_253 : i1 to i32
      %cond3A = arith.constant 0 : i32
      %cond3A_254 = arith.cmpi ne, %convert_element_type3A, %cond3A : i32
      scf.if %cond3A_254 {
        %mul3A_539 = arith.constant 50 : i32
        %mul3A_540 = arith.muli %add3A, %mul3A_539 : i32
        %add3A_541 = arith.constant 0 : i32
        %add3A_542 = arith.addi %mul3A_540, %add3A_541 : i32
        %mul3A_543 = arith.constant 128 : i32
        %mul3A_544 = arith.muli %add3A_542, %mul3A_543 : i32
        %dma_wait3A_545 = arith.constant 0 : i32
        %dma_wait3A_546 = arith.constant 0 : i32
        %dma_wait3A_547 = arith.constant 0 : i32
        %dma_wait3A_548 = arith.constant 0 : i32
        %dma_wait3A_549 = tpu.memref_slice %arg7[%dma_wait3A_545, %dma_wait3A_547, %dma_wait3A_548] : memref<5x128x64xf32, #tpu.memory_space<vmem>> -> memref<1x128x64xf32, #tpu.memory_space<vmem>>
        %dma_wait3A_550 = tpu.memref_squeeze %dma_wait3A_549 : memref<1x128x64xf32, #tpu.memory_space<vmem>> -> memref<128x64xf32, #tpu.memory_space<vmem>>
        %dma_wait3A_551 = arith.constant 0 : i32
        %dma_wait3A_552 = tpu.memref_slice %arg5[%mul3A_544, %dma_wait3A_551] : memref<204800x64xf32, #tpu.memory_space<hbm>> -> memref<128x64xf32, #tpu.memory_space<hbm>>
        %dma_wait3A_553 = tpu.memref_slice %arg10[%dma_wait3A_546] : memref<5x!tpu.dma_semaphore, #tpu.memory_space<semaphore_mem>> -> memref<1x!tpu.dma_semaphore, #tpu.memory_space<semaphore_mem>>
        %dma_wait3A_554 = tpu.memref_squeeze %dma_wait3A_553 : memref<1x!tpu.dma_semaphore, #tpu.memory_space<semaphore_mem>> -> memref<!tpu.dma_semaphore, #tpu.memory_space<semaphore_mem>>
        %dma_wait3A_555 = arith.constant 0 : i32
        %dma_wait3A_556 = tpu.memref_slice %arg5[%mul3A_544, %dma_wait3A_555] : memref<204800x64xf32, #tpu.memory_space<hbm>> -> memref<128x64xf32, #tpu.memory_space<hbm>>
        %dma_wait3A_557 = arith.constant 0 : i32
        %dma_wait3A_558 = arith.constant 0 : i32
        %dma_wait3A_559 = tpu.memref_slice %arg7[%dma_wait3A_545, %dma_wait3A_557, %dma_wait3A_558] : memref<5x128x64xf32, #tpu.memory_space<vmem>> -> memref<1x128x64xf32, #tpu.memory_space<vmem>>
        %dma_wait3A_560 = tpu.memref_squeeze %dma_wait3A_559 : memref<1x128x64xf32, #tpu.memory_space<vmem>> -> memref<128x64xf32, #tpu.memory_space<vmem>>
        tpu.wait_dma2 semaphore(%dma_wait3A_554 : memref<!tpu.dma_semaphore, #tpu.memory_space<semaphore_mem>>) src(%dma_wait3A_560 : memref<128x64xf32, #tpu.memory_space<vmem>>) dst(%dma_wait3A_556 : memref<128x64xf32, #tpu.memory_space<hbm>>)
        %add3A_561 = arith.constant 5 : i32
        %add3A_562 = arith.addi %add3A_194, %add3A_561 : i32
        %dma_start3A_563 = arith.constant 0 : i32
        %dma_start3A_564 = arith.constant 0 : i32
        %dma_start3A_565 = arith.constant 0 : i32
        %dma_start3A_566 = arith.constant 0 : i32
        %dma_start3A_567 = tpu.memref_slice %arg7[%dma_start3A_563, %dma_start3A_565, %dma_start3A_566] : memref<5x128x64xf32, #tpu.memory_space<vmem>> -> memref<1x128x64xf32, #tpu.memory_space<vmem>>
        %dma_start3A_568 = tpu.memref_squeeze %dma_start3A_567 : memref<1x128x64xf32, #tpu.memory_space<vmem>> -> memref<128x64xf32, #tpu.memory_space<vmem>>
        %dma_start3A_569 = arith.constant 0 : i32
        %dma_start3A_570 = tpu.memref_slice %arg6[%add3A_562, %dma_start3A_569] : memref<50x128xi32, #tpu.memory_space<vmem>> -> memref<1x128xi32, #tpu.memory_space<vmem>>
        %dma_start3A_571 = tpu.memref_squeeze %dma_start3A_570 : memref<1x128xi32, #tpu.memory_space<vmem>> -> memref<128xi32, #tpu.memory_space<vmem>>
        %dma_start3A_572 = arith.constant 0 : i32
        %dma_start3A_573 = arith.constant 0 : i32
        %dma_start3A_574 = tpu.memref_slice %arg3[%dma_start3A_572, %dma_start3A_573] : memref<1000000x64xf32, #tpu.memory_space<hbm>> -> memref<1000000x64xf32, #tpu.memory_space<hbm>>
        %dma_start3A_575 = tpu.memref_slice %arg9[%dma_start3A_564] : memref<5x!tpu.dma_semaphore, #tpu.memory_space<semaphore_mem>> -> memref<1x!tpu.dma_semaphore, #tpu.memory_space<semaphore_mem>>
        %dma_start3A_576 = tpu.memref_squeeze %dma_start3A_575 : memref<1x!tpu.dma_semaphore, #tpu.memory_space<semaphore_mem>> -> memref<!tpu.dma_semaphore, #tpu.memory_space<semaphore_mem>>
        tpu.enqueue_indirect_dma source(%dma_start3A_574 : memref<1000000x64xf32, #tpu.memory_space<hbm>>) target(%dma_start3A_568 : memref<128x64xf32, #tpu.memory_space<vmem>>) offsets(%dma_start3A_571 : memref<128xi32, #tpu.memory_space<vmem>>) semaphore(%dma_start3A_576 : memref<!tpu.dma_semaphore, #tpu.memory_space<semaphore_mem>>)
      } else {
      }
      %add3A_255 = arith.constant 1 : i32
      %add3A_256 = arith.addi %add3A_192, %add3A_255 : i32
      %dma_wait3A_257 = arith.constant 0 : i32
      %dma_wait3A_258 = arith.constant 1 : i32
      %dma_wait3A_259 = arith.constant 1 : i32
      %dma_wait3A_260 = arith.constant 0 : i32
      %dma_wait3A_261 = arith.constant 0 : i32
      %dma_wait3A_262 = tpu.memref_slice %arg7[%dma_wait3A_258, %dma_wait3A_260, %dma_wait3A_261] : memref<5x128x64xf32, #tpu.memory_space<vmem>> -> memref<1x128x64xf32, #tpu.memory_space<vmem>>
      %dma_wait3A_263 = tpu.memref_squeeze %dma_wait3A_262 : memref<1x128x64xf32, #tpu.memory_space<vmem>> -> memref<128x64xf32, #tpu.memory_space<vmem>>
      %dma_wait3A_264 = arith.constant 0 : i32
      %dma_wait3A_265 = tpu.memref_slice %arg6[%dma_wait3A_257, %dma_wait3A_264] : memref<50x128xi32, #tpu.memory_space<vmem>> -> memref<1x128xi32, #tpu.memory_space<vmem>>
      %dma_wait3A_266 = tpu.memref_squeeze %dma_wait3A_265 : memref<1x128xi32, #tpu.memory_space<vmem>> -> memref<128xi32, #tpu.memory_space<vmem>>
      %dma_wait3A_267 = arith.constant 0 : i32
      %dma_wait3A_268 = arith.constant 0 : i32
      %dma_wait3A_269 = tpu.memref_slice %arg3[%dma_wait3A_267, %dma_wait3A_268] : memref<1000000x64xf32, #tpu.memory_space<hbm>> -> memref<1000000x64xf32, #tpu.memory_space<hbm>>
      %dma_wait3A_270 = tpu.memref_slice %arg9[%dma_wait3A_259] : memref<5x!tpu.dma_semaphore, #tpu.memory_space<semaphore_mem>> -> memref<1x!tpu.dma_semaphore, #tpu.memory_space<semaphore_mem>>
      %dma_wait3A_271 = tpu.memref_squeeze %dma_wait3A_270 : memref<1x!tpu.dma_semaphore, #tpu.memory_space<semaphore_mem>> -> memref<!tpu.dma_semaphore, #tpu.memory_space<semaphore_mem>>
      tpu.wait_indirect_dma semaphore(%dma_wait3A_271 : memref<!tpu.dma_semaphore, #tpu.memory_space<semaphore_mem>>) src(%dma_wait3A_269 : memref<1000000x64xf32, #tpu.memory_space<hbm>>) dst(%dma_wait3A_263 : memref<128x64xf32, #tpu.memory_space<vmem>>)
      %mul3A_272 = arith.constant 50 : i32
      %mul3A_273 = arith.muli %add3A, %mul3A_272 : i32
      %add3A_274 = arith.addi %mul3A_273, %add3A_256 : i32
      %mul3A_275 = arith.constant 128 : i32
      %mul3A_276 = arith.muli %add3A_274, %mul3A_275 : i32
      %jit3A_277 = arith.constant 200 : i32
      %eq3A_278 = arith.constant 0 : i32
      %eq3A_279 = arith.cmpi eq, %jit3A_277, %eq3A_278 : i32
      %jit3A_280 = arith.constant 1 : i32
      %select_n3A_281 = arith.select %eq3A_279, %jit3A_280, %jit3A_277 : i32
      %rem3A_282 = arith.remsi %mul3A_276, %select_n3A_281 : i32
      %ne3A_283 = arith.constant 0 : i32
      %ne3A_284 = arith.cmpi ne, %rem3A_282, %ne3A_283 : i32
      %lt3A_285 = arith.constant 0 : i32
      %lt3A_286 = arith.cmpi slt, %rem3A_282, %lt3A_285 : i32
      %lt3A_287 = arith.constant 0 : i32
      %lt3A_288 = arith.cmpi slt, %select_n3A_281, %lt3A_287 : i32
      %ne3A_289 = arith.xori %lt3A_286, %lt3A_288 : i1
      %and3A_290 = arith.andi %ne3A_289, %ne3A_284 : i1
      %add3A_291 = arith.addi %rem3A_282, %select_n3A_281 : i32
      %select_n3A_292 = arith.select %and3A_290, %add3A_291, %rem3A_282 : i32
      %scan3A_293 = arith.constant 0 : i32
      %scan3A_294 = arith.constant 128 : i32
      %scan3A_295 = arith.addi %scan3A_293, %scan3A_294 : i32
      %scan3A_296 = arith.constant 1 : i32
      scf.for %scan3A_539 = %scan3A_293 to %scan3A_295 step %scan3A_296  : i32 {
        %mul3A_540 = arith.constant 1 : i32
        %mul3A_541 = arith.muli %scan3A_539, %mul3A_540 : i32
        %add3A_542 = arith.constant 0 : i32
        %add3A_543 = arith.addi %add3A_542, %mul3A_541 : i32
        %add3A_544 = arith.addi %select_n3A_292, %add3A_543 : i32
        %get3A = arith.index_cast %add3A_544 : i32 to index
        %get3A_545 = arith.constant 0 : index
        %get3A_546 = tpu.vector_load %arg8[%get3A, %get3A_545] {strides = array<i32>} : memref<400x64xf32, #tpu.memory_space<vmem>>, vector<1x16xf32>,
        %get3A_547 = vector.shape_cast %get3A_546 : vector<1x16xf32> to vector<16xf32>
        %swap3A = arith.constant 1 : i32
        %swap3A_548 = arith.index_cast %swap3A : i32 to index
        %swap3A_549 = arith.index_cast %add3A_543 : i32 to index
        %swap3A_550 = arith.constant 0 : index
        %swap3A_551 = tpu.vector_load %arg7[%swap3A_548, %swap3A_549, %swap3A_550] {strides = array<i32>} : memref<5x128x64xf32, #tpu.memory_space<vmem>>, vector<1x1x16xf32>,
        %swap3A_552 = vector.shape_cast %swap3A_551 : vector<1x1x16xf32> to vector<16xf32>
        %swap3A_553 = vector.shape_cast %get3A_547 : vector<16xf32> to vector<1x1x16xf32>
        tpu.vector_store %arg7[%swap3A_548, %swap3A_549, %swap3A_550], %swap3A_553 {add = true, strides = array<i32>} : memref<5x128x64xf32, #tpu.memory_space<vmem>>, vector<1x1x16xf32>,
        %add3A_554 = arith.addi %select_n3A_292, %add3A_543 : i32
        %get3A_555 = arith.index_cast %add3A_554 : i32 to index
        %get3A_556 = arith.constant 16 : index
        %get3A_557 = tpu.vector_load %arg8[%get3A_555, %get3A_556] {strides = array<i32>} : memref<400x64xf32, #tpu.memory_space<vmem>>, vector<1x16xf32>,
        %get3A_558 = vector.shape_cast %get3A_557 : vector<1x16xf32> to vector<16xf32>
        %swap3A_559 = arith.constant 1 : i32
        %swap3A_560 = arith.index_cast %swap3A_559 : i32 to index
        %swap3A_561 = arith.index_cast %add3A_543 : i32 to index
        %swap3A_562 = arith.constant 16 : index
        %swap3A_563 = tpu.vector_load %arg7[%swap3A_560, %swap3A_561, %swap3A_562] {strides = array<i32>} : memref<5x128x64xf32, #tpu.memory_space<vmem>>, vector<1x1x16xf32>,
        %swap3A_564 = vector.shape_cast %swap3A_563 : vector<1x1x16xf32> to vector<16xf32>
        %swap3A_565 = vector.shape_cast %get3A_558 : vector<16xf32> to vector<1x1x16xf32>
        tpu.vector_store %arg7[%swap3A_560, %swap3A_561, %swap3A_562], %swap3A_565 {add = true, strides = array<i32>} : memref<5x128x64xf32, #tpu.memory_space<vmem>>, vector<1x1x16xf32>,
        %add3A_566 = arith.addi %select_n3A_292, %add3A_543 : i32
        %get3A_567 = arith.index_cast %add3A_566 : i32 to index
        %get3A_568 = arith.constant 32 : index
        %get3A_569 = tpu.vector_load %arg8[%get3A_567, %get3A_568] {strides = array<i32>} : memref<400x64xf32, #tpu.memory_space<vmem>>, vector<1x16xf32>,
        %get3A_570 = vector.shape_cast %get3A_569 : vector<1x16xf32> to vector<16xf32>
        %swap3A_571 = arith.constant 1 : i32
        %swap3A_572 = arith.index_cast %swap3A_571 : i32 to index
        %swap3A_573 = arith.index_cast %add3A_543 : i32 to index
        %swap3A_574 = arith.constant 32 : index
        %swap3A_575 = tpu.vector_load %arg7[%swap3A_572, %swap3A_573, %swap3A_574] {strides = array<i32>} : memref<5x128x64xf32, #tpu.memory_space<vmem>>, vector<1x1x16xf32>,
        %swap3A_576 = vector.shape_cast %swap3A_575 : vector<1x1x16xf32> to vector<16xf32>
        %swap3A_577 = vector.shape_cast %get3A_570 : vector<16xf32> to vector<1x1x16xf32>
        tpu.vector_store %arg7[%swap3A_572, %swap3A_573, %swap3A_574], %swap3A_577 {add = true, strides = array<i32>} : memref<5x128x64xf32, #tpu.memory_space<vmem>>, vector<1x1x16xf32>,
        %add3A_578 = arith.addi %select_n3A_292, %add3A_543 : i32
        %get3A_579 = arith.index_cast %add3A_578 : i32 to index
        %get3A_580 = arith.constant 48 : index
        %get3A_581 = tpu.vector_load %arg8[%get3A_579, %get3A_580] {strides = array<i32>} : memref<400x64xf32, #tpu.memory_space<vmem>>, vector<1x16xf32>,
        %get3A_582 = vector.shape_cast %get3A_581 : vector<1x16xf32> to vector<16xf32>
        %swap3A_583 = arith.constant 1 : i32
        %swap3A_584 = arith.index_cast %swap3A_583 : i32 to index
        %swap3A_585 = arith.index_cast %add3A_543 : i32 to index
        %swap3A_586 = arith.constant 48 : index
        %swap3A_587 = tpu.vector_load %arg7[%swap3A_584, %swap3A_585, %swap3A_586] {strides = array<i32>} : memref<5x128x64xf32, #tpu.memory_space<vmem>>, vector<1x1x16xf32>,
        %swap3A_588 = vector.shape_cast %swap3A_587 : vector<1x1x16xf32> to vector<16xf32>
        %swap3A_589 = vector.shape_cast %get3A_582 : vector<16xf32> to vector<1x1x16xf32>
        tpu.vector_store %arg7[%swap3A_584, %swap3A_585, %swap3A_586], %swap3A_589 {add = true, strides = array<i32>} : memref<5x128x64xf32, #tpu.memory_space<vmem>>, vector<1x1x16xf32>,
      }
      %scan3A_297 = arith.constant 128 : i32
      %mul3A_298 = arith.constant 50 : i32
      %mul3A_299 = arith.muli %add3A, %mul3A_298 : i32
      %add3A_300 = arith.addi %mul3A_299, %add3A_256 : i32
      %mul3A_301 = arith.constant 128 : i32
      %mul3A_302 = arith.muli %add3A_300, %mul3A_301 : i32
      %dma_start3A_303 = arith.constant 1 : i32
      %dma_start3A_304 = arith.constant 1 : i32
      %dma_start3A_305 = arith.constant 0 : i32
      %dma_start3A_306 = arith.constant 0 : i32
      %dma_start3A_307 = tpu.memref_slice %arg7[%dma_start3A_303, %dma_start3A_305, %dma_start3A_306] : memref<5x128x64xf32, #tpu.memory_space<vmem>> -> memref<1x128x64xf32, #tpu.memory_space<vmem>>
      %dma_start3A_308 = tpu.memref_squeeze %dma_start3A_307 : memref<1x128x64xf32, #tpu.memory_space<vmem>> -> memref<128x64xf32, #tpu.memory_space<vmem>>
      %dma_start3A_309 = arith.constant 0 : i32
      %dma_start3A_310 = tpu.memref_slice %arg5[%mul3A_302, %dma_start3A_309] : memref<204800x64xf32, #tpu.memory_space<hbm>> -> memref<128x64xf32, #tpu.memory_space<hbm>>
      %dma_start3A_311 = tpu.memref_slice %arg10[%dma_start3A_304] : memref<5x!tpu.dma_semaphore, #tpu.memory_space<semaphore_mem>> -> memref<1x!tpu.dma_semaphore, #tpu.memory_space<semaphore_mem>>
      %dma_start3A_312 = tpu.memref_squeeze %dma_start3A_311 : memref<1x!tpu.dma_semaphore, #tpu.memory_space<semaphore_mem>> -> memref<!tpu.dma_semaphore, #tpu.memory_space<semaphore_mem>>
      %dma_start3A_313 = arith.constant 0 : i32
      %dma_start3A_314 = tpu.memref_slice %arg5[%mul3A_302, %dma_start3A_313] : memref<204800x64xf32, #tpu.memory_space<hbm>> -> memref<128x64xf32, #tpu.memory_space<hbm>>
      %dma_start3A_315 = arith.constant 0 : i32
      %dma_start3A_316 = arith.constant 0 : i32
      %dma_start3A_317 = tpu.memref_slice %arg7[%dma_start3A_303, %dma_start3A_315, %dma_start3A_316] : memref<5x128x64xf32, #tpu.memory_space<vmem>> -> memref<1x128x64xf32, #tpu.memory_space<vmem>>
      %dma_start3A_318 = tpu.memref_squeeze %dma_start3A_317 : memref<1x128x64xf32, #tpu.memory_space<vmem>> -> memref<128x64xf32, #tpu.memory_space<vmem>>
      tpu.enqueue_dma source(%dma_start3A_318 : memref<128x64xf32, #tpu.memory_space<vmem>>) target(%dma_start3A_314 : memref<128x64xf32, #tpu.memory_space<hbm>>) target_semaphore(%dma_start3A_312 : memref<!tpu.dma_semaphore, #tpu.memory_space<semaphore_mem>>)
      %add3A_319 = arith.constant 5 : i32
      %add3A_320 = arith.addi %add3A_256, %add3A_319 : i32
      %lt3A_321 = arith.constant 50 : i32
      %lt3A_322 = arith.cmpi slt, %add3A_320, %lt3A_321 : i32
      %convert_element_type3A_323 = arith.extui %lt3A_322 : i1 to i32
      %cond3A_324 = arith.constant 0 : i32
      %cond3A_325 = arith.cmpi ne, %convert_element_type3A_323, %cond3A_324 : i32
      scf.if %cond3A_325 {
        %mul3A_539 = arith.constant 50 : i32
        %mul3A_540 = arith.muli %add3A, %mul3A_539 : i32
        %add3A_541 = arith.constant 0 : i32
        %add3A_542 = arith.addi %mul3A_540, %add3A_541 : i32
        %mul3A_543 = arith.constant 128 : i32
        %mul3A_544 = arith.muli %add3A_542, %mul3A_543 : i32
        %dma_wait3A_545 = arith.constant 1 : i32
        %dma_wait3A_546 = arith.constant 1 : i32
        %dma_wait3A_547 = arith.constant 0 : i32
        %dma_wait3A_548 = arith.constant 0 : i32
        %dma_wait3A_549 = tpu.memref_slice %arg7[%dma_wait3A_545, %dma_wait3A_547, %dma_wait3A_548] : memref<5x128x64xf32, #tpu.memory_space<vmem>> -> memref<1x128x64xf32, #tpu.memory_space<vmem>>
        %dma_wait3A_550 = tpu.memref_squeeze %dma_wait3A_549 : memref<1x128x64xf32, #tpu.memory_space<vmem>> -> memref<128x64xf32, #tpu.memory_space<vmem>>
        %dma_wait3A_551 = arith.constant 0 : i32
        %dma_wait3A_552 = tpu.memref_slice %arg5[%mul3A_544, %dma_wait3A_551] : memref<204800x64xf32, #tpu.memory_space<hbm>> -> memref<128x64xf32, #tpu.memory_space<hbm>>
        %dma_wait3A_553 = tpu.memref_slice %arg10[%dma_wait3A_546] : memref<5x!tpu.dma_semaphore, #tpu.memory_space<semaphore_mem>> -> memref<1x!tpu.dma_semaphore, #tpu.memory_space<semaphore_mem>>
        %dma_wait3A_554 = tpu.memref_squeeze %dma_wait3A_553 : memref<1x!tpu.dma_semaphore, #tpu.memory_space<semaphore_mem>> -> memref<!tpu.dma_semaphore, #tpu.memory_space<semaphore_mem>>
        %dma_wait3A_555 = arith.constant 0 : i32
        %dma_wait3A_556 = tpu.memref_slice %arg5[%mul3A_544, %dma_wait3A_555] : memref<204800x64xf32, #tpu.memory_space<hbm>> -> memref<128x64xf32, #tpu.memory_space<hbm>>
        %dma_wait3A_557 = arith.constant 0 : i32
        %dma_wait3A_558 = arith.constant 0 : i32
        %dma_wait3A_559 = tpu.memref_slice %arg7[%dma_wait3A_545, %dma_wait3A_557, %dma_wait3A_558] : memref<5x128x64xf32, #tpu.memory_space<vmem>> -> memref<1x128x64xf32, #tpu.memory_space<vmem>>
        %dma_wait3A_560 = tpu.memref_squeeze %dma_wait3A_559 : memref<1x128x64xf32, #tpu.memory_space<vmem>> -> memref<128x64xf32, #tpu.memory_space<vmem>>
        tpu.wait_dma2 semaphore(%dma_wait3A_554 : memref<!tpu.dma_semaphore, #tpu.memory_space<semaphore_mem>>) src(%dma_wait3A_560 : memref<128x64xf32, #tpu.memory_space<vmem>>) dst(%dma_wait3A_556 : memref<128x64xf32, #tpu.memory_space<hbm>>)
        %add3A_561 = arith.constant 5 : i32
        %add3A_562 = arith.addi %add3A_256, %add3A_561 : i32
        %dma_start3A_563 = arith.constant 1 : i32
        %dma_start3A_564 = arith.constant 1 : i32
        %dma_start3A_565 = arith.constant 0 : i32
        %dma_start3A_566 = arith.constant 0 : i32
        %dma_start3A_567 = tpu.memref_slice %arg7[%dma_start3A_563, %dma_start3A_565, %dma_start3A_566] : memref<5x128x64xf32, #tpu.memory_space<vmem>> -> memref<1x128x64xf32, #tpu.memory_space<vmem>>
        %dma_start3A_568 = tpu.memref_squeeze %dma_start3A_567 : memref<1x128x64xf32, #tpu.memory_space<vmem>> -> memref<128x64xf32, #tpu.memory_space<vmem>>
        %dma_start3A_569 = arith.constant 0 : i32
        %dma_start3A_570 = tpu.memref_slice %arg6[%add3A_562, %dma_start3A_569] : memref<50x128xi32, #tpu.memory_space<vmem>> -> memref<1x128xi32, #tpu.memory_space<vmem>>
        %dma_start3A_571 = tpu.memref_squeeze %dma_start3A_570 : memref<1x128xi32, #tpu.memory_space<vmem>> -> memref<128xi32, #tpu.memory_space<vmem>>
        %dma_start3A_572 = arith.constant 0 : i32
        %dma_start3A_573 = arith.constant 0 : i32
        %dma_start3A_574 = tpu.memref_slice %arg3[%dma_start3A_572, %dma_start3A_573] : memref<1000000x64xf32, #tpu.memory_space<hbm>> -> memref<1000000x64xf32, #tpu.memory_space<hbm>>
        %dma_start3A_575 = tpu.memref_slice %arg9[%dma_start3A_564] : memref<5x!tpu.dma_semaphore, #tpu.memory_space<semaphore_mem>> -> memref<1x!tpu.dma_semaphore, #tpu.memory_space<semaphore_mem>>
        %dma_start3A_576 = tpu.memref_squeeze %dma_start3A_575 : memref<1x!tpu.dma_semaphore, #tpu.memory_space<semaphore_mem>> -> memref<!tpu.dma_semaphore, #tpu.memory_space<semaphore_mem>>
        tpu.enqueue_indirect_dma source(%dma_start3A_574 : memref<1000000x64xf32, #tpu.memory_space<hbm>>) target(%dma_start3A_568 : memref<128x64xf32, #tpu.memory_space<vmem>>) offsets(%dma_start3A_571 : memref<128xi32, #tpu.memory_space<vmem>>) semaphore(%dma_start3A_576 : memref<!tpu.dma_semaphore, #tpu.memory_space<semaphore_mem>>)
      } else {
      }
      %add3A_326 = arith.constant 2 : i32
      %add3A_327 = arith.addi %add3A_192, %add3A_326 : i32
      %dma_wait3A_328 = arith.constant 0 : i32
      %dma_wait3A_329 = arith.constant 2 : i32
      %dma_wait3A_330 = arith.constant 2 : i32
      %dma_wait3A_331 = arith.constant 0 : i32
      %dma_wait3A_332 = arith.constant 0 : i32
      %dma_wait3A_333 = tpu.memref_slice %arg7[%dma_wait3A_329, %dma_wait3A_331, %dma_wait3A_332] : memref<5x128x64xf32, #tpu.memory_space<vmem>> -> memref<1x128x64xf32, #tpu.memory_space<vmem>>
      %dma_wait3A_334 = tpu.memref_squeeze %dma_wait3A_333 : memref<1x128x64xf32, #tpu.memory_space<vmem>> -> memref<128x64xf32, #tpu.memory_space<vmem>>
      %dma_wait3A_335 = arith.constant 0 : i32
      %dma_wait3A_336 = tpu.memref_slice %arg6[%dma_wait3A_328, %dma_wait3A_335] : memref<50x128xi32, #tpu.memory_space<vmem>> -> memref<1x128xi32, #tpu.memory_space<vmem>>
      %dma_wait3A_337 = tpu.memref_squeeze %dma_wait3A_336 : memref<1x128xi32, #tpu.memory_space<vmem>> -> memref<128xi32, #tpu.memory_space<vmem>>
      %dma_wait3A_338 = arith.constant 0 : i32
      %dma_wait3A_339 = arith.constant 0 : i32
      %dma_wait3A_340 = tpu.memref_slice %arg3[%dma_wait3A_338, %dma_wait3A_339] : memref<1000000x64xf32, #tpu.memory_space<hbm>> -> memref<1000000x64xf32, #tpu.memory_space<hbm>>
      %dma_wait3A_341 = tpu.memref_slice %arg9[%dma_wait3A_330] : memref<5x!tpu.dma_semaphore, #tpu.memory_space<semaphore_mem>> -> memref<1x!tpu.dma_semaphore, #tpu.memory_space<semaphore_mem>>
      %dma_wait3A_342 = tpu.memref_squeeze %dma_wait3A_341 : memref<1x!tpu.dma_semaphore, #tpu.memory_space<semaphore_mem>> -> memref<!tpu.dma_semaphore, #tpu.memory_space<semaphore_mem>>
      tpu.wait_indirect_dma semaphore(%dma_wait3A_342 : memref<!tpu.dma_semaphore, #tpu.memory_space<semaphore_mem>>) src(%dma_wait3A_340 : memref<1000000x64xf32, #tpu.memory_space<hbm>>) dst(%dma_wait3A_334 : memref<128x64xf32, #tpu.memory_space<vmem>>)
      %mul3A_343 = arith.constant 50 : i32
      %mul3A_344 = arith.muli %add3A, %mul3A_343 : i32
      %add3A_345 = arith.addi %mul3A_344, %add3A_327 : i32
      %mul3A_346 = arith.constant 128 : i32
      %mul3A_347 = arith.muli %add3A_345, %mul3A_346 : i32
      %jit3A_348 = arith.constant 200 : i32
      %eq3A_349 = arith.constant 0 : i32
      %eq3A_350 = arith.cmpi eq, %jit3A_348, %eq3A_349 : i32
      %jit3A_351 = arith.constant 1 : i32
      %select_n3A_352 = arith.select %eq3A_350, %jit3A_351, %jit3A_348 : i32
      %rem3A_353 = arith.remsi %mul3A_347, %select_n3A_352 : i32
      %ne3A_354 = arith.constant 0 : i32
      %ne3A_355 = arith.cmpi ne, %rem3A_353, %ne3A_354 : i32
      %lt3A_356 = arith.constant 0 : i32
      %lt3A_357 = arith.cmpi slt, %rem3A_353, %lt3A_356 : i32
      %lt3A_358 = arith.constant 0 : i32
      %lt3A_359 = arith.cmpi slt, %select_n3A_352, %lt3A_358 : i32
      %ne3A_360 = arith.xori %lt3A_357, %lt3A_359 : i1
      %and3A_361 = arith.andi %ne3A_360, %ne3A_355 : i1
      %add3A_362 = arith.addi %rem3A_353, %select_n3A_352 : i32
      %select_n3A_363 = arith.select %and3A_361, %add3A_362, %rem3A_353 : i32
      %scan3A_364 = arith.constant 0 : i32
      %scan3A_365 = arith.constant 128 : i32
      %scan3A_366 = arith.addi %scan3A_364, %scan3A_365 : i32
      %scan3A_367 = arith.constant 1 : i32
      scf.for %scan3A_539 = %scan3A_364 to %scan3A_366 step %scan3A_367  : i32 {
        %mul3A_540 = arith.constant 1 : i32
        %mul3A_541 = arith.muli %scan3A_539, %mul3A_540 : i32
        %add3A_542 = arith.constant 0 : i32
        %add3A_543 = arith.addi %add3A_542, %mul3A_541 : i32
        %add3A_544 = arith.addi %select_n3A_363, %add3A_543 : i32
        %get3A = arith.index_cast %add3A_544 : i32 to index
        %get3A_545 = arith.constant 0 : index
        %get3A_546 = tpu.vector_load %arg8[%get3A, %get3A_545] {strides = array<i32>} : memref<400x64xf32, #tpu.memory_space<vmem>>, vector<1x16xf32>,
        %get3A_547 = vector.shape_cast %get3A_546 : vector<1x16xf32> to vector<16xf32>
        %swap3A = arith.constant 2 : i32
        %swap3A_548 = arith.index_cast %swap3A : i32 to index
        %swap3A_549 = arith.index_cast %add3A_543 : i32 to index
        %swap3A_550 = arith.constant 0 : index
        %swap3A_551 = tpu.vector_load %arg7[%swap3A_548, %swap3A_549, %swap3A_550] {strides = array<i32>} : memref<5x128x64xf32, #tpu.memory_space<vmem>>, vector<1x1x16xf32>,
        %swap3A_552 = vector.shape_cast %swap3A_551 : vector<1x1x16xf32> to vector<16xf32>
        %swap3A_553 = vector.shape_cast %get3A_547 : vector<16xf32> to vector<1x1x16xf32>
        tpu.vector_store %arg7[%swap3A_548, %swap3A_549, %swap3A_550], %swap3A_553 {add = true, strides = array<i32>} : memref<5x128x64xf32, #tpu.memory_space<vmem>>, vector<1x1x16xf32>,
        %add3A_554 = arith.addi %select_n3A_363, %add3A_543 : i32
        %get3A_555 = arith.index_cast %add3A_554 : i32 to index
        %get3A_556 = arith.constant 16 : index
        %get3A_557 = tpu.vector_load %arg8[%get3A_555, %get3A_556] {strides = array<i32>} : memref<400x64xf32, #tpu.memory_space<vmem>>, vector<1x16xf32>,
        %get3A_558 = vector.shape_cast %get3A_557 : vector<1x16xf32> to vector<16xf32>
        %swap3A_559 = arith.constant 2 : i32
        %swap3A_560 = arith.index_cast %swap3A_559 : i32 to index
        %swap3A_561 = arith.index_cast %add3A_543 : i32 to index
        %swap3A_562 = arith.constant 16 : index
        %swap3A_563 = tpu.vector_load %arg7[%swap3A_560, %swap3A_561, %swap3A_562] {strides = array<i32>} : memref<5x128x64xf32, #tpu.memory_space<vmem>>, vector<1x1x16xf32>,
        %swap3A_564 = vector.shape_cast %swap3A_563 : vector<1x1x16xf32> to vector<16xf32>
        %swap3A_565 = vector.shape_cast %get3A_558 : vector<16xf32> to vector<1x1x16xf32>
        tpu.vector_store %arg7[%swap3A_560, %swap3A_561, %swap3A_562], %swap3A_565 {add = true, strides = array<i32>} : memref<5x128x64xf32, #tpu.memory_space<vmem>>, vector<1x1x16xf32>,
        %add3A_566 = arith.addi %select_n3A_363, %add3A_543 : i32
        %get3A_567 = arith.index_cast %add3A_566 : i32 to index
        %get3A_568 = arith.constant 32 : index
        %get3A_569 = tpu.vector_load %arg8[%get3A_567, %get3A_568] {strides = array<i32>} : memref<400x64xf32, #tpu.memory_space<vmem>>, vector<1x16xf32>,
        %get3A_570 = vector.shape_cast %get3A_569 : vector<1x16xf32> to vector<16xf32>
        %swap3A_571 = arith.constant 2 : i32
        %swap3A_572 = arith.index_cast %swap3A_571 : i32 to index
        %swap3A_573 = arith.index_cast %add3A_543 : i32 to index
        %swap3A_574 = arith.constant 32 : index
        %swap3A_575 = tpu.vector_load %arg7[%swap3A_572, %swap3A_573, %swap3A_574] {strides = array<i32>} : memref<5x128x64xf32, #tpu.memory_space<vmem>>, vector<1x1x16xf32>,
        %swap3A_576 = vector.shape_cast %swap3A_575 : vector<1x1x16xf32> to vector<16xf32>
        %swap3A_577 = vector.shape_cast %get3A_570 : vector<16xf32> to vector<1x1x16xf32>
        tpu.vector_store %arg7[%swap3A_572, %swap3A_573, %swap3A_574], %swap3A_577 {add = true, strides = array<i32>} : memref<5x128x64xf32, #tpu.memory_space<vmem>>, vector<1x1x16xf32>,
        %add3A_578 = arith.addi %select_n3A_363, %add3A_543 : i32
        %get3A_579 = arith.index_cast %add3A_578 : i32 to index
        %get3A_580 = arith.constant 48 : index
        %get3A_581 = tpu.vector_load %arg8[%get3A_579, %get3A_580] {strides = array<i32>} : memref<400x64xf32, #tpu.memory_space<vmem>>, vector<1x16xf32>,
        %get3A_582 = vector.shape_cast %get3A_581 : vector<1x16xf32> to vector<16xf32>
        %swap3A_583 = arith.constant 2 : i32
        %swap3A_584 = arith.index_cast %swap3A_583 : i32 to index
        %swap3A_585 = arith.index_cast %add3A_543 : i32 to index
        %swap3A_586 = arith.constant 48 : index
        %swap3A_587 = tpu.vector_load %arg7[%swap3A_584, %swap3A_585, %swap3A_586] {strides = array<i32>} : memref<5x128x64xf32, #tpu.memory_space<vmem>>, vector<1x1x16xf32>,
        %swap3A_588 = vector.shape_cast %swap3A_587 : vector<1x1x16xf32> to vector<16xf32>
        %swap3A_589 = vector.shape_cast %get3A_582 : vector<16xf32> to vector<1x1x16xf32>
        tpu.vector_store %arg7[%swap3A_584, %swap3A_585, %swap3A_586], %swap3A_589 {add = true, strides = array<i32>} : memref<5x128x64xf32, #tpu.memory_space<vmem>>, vector<1x1x16xf32>,
      }
      %scan3A_368 = arith.constant 128 : i32
      %mul3A_369 = arith.constant 50 : i32
      %mul3A_370 = arith.muli %add3A, %mul3A_369 : i32
      %add3A_371 = arith.addi %mul3A_370, %add3A_327 : i32
      %mul3A_372 = arith.constant 128 : i32
      %mul3A_373 = arith.muli %add3A_371, %mul3A_372 : i32
      %dma_start3A_374 = arith.constant 2 : i32
      %dma_start3A_375 = arith.constant 2 : i32
      %dma_start3A_376 = arith.constant 0 : i32
      %dma_start3A_377 = arith.constant 0 : i32
      %dma_start3A_378 = tpu.memref_slice %arg7[%dma_start3A_374, %dma_start3A_376, %dma_start3A_377] : memref<5x128x64xf32, #tpu.memory_space<vmem>> -> memref<1x128x64xf32, #tpu.memory_space<vmem>>
      %dma_start3A_379 = tpu.memref_squeeze %dma_start3A_378 : memref<1x128x64xf32, #tpu.memory_space<vmem>> -> memref<128x64xf32, #tpu.memory_space<vmem>>
      %dma_start3A_380 = arith.constant 0 : i32
      %dma_start3A_381 = tpu.memref_slice %arg5[%mul3A_373, %dma_start3A_380] : memref<204800x64xf32, #tpu.memory_space<hbm>> -> memref<128x64xf32, #tpu.memory_space<hbm>>
      %dma_start3A_382 = tpu.memref_slice %arg10[%dma_start3A_375] : memref<5x!tpu.dma_semaphore, #tpu.memory_space<semaphore_mem>> -> memref<1x!tpu.dma_semaphore, #tpu.memory_space<semaphore_mem>>
      %dma_start3A_383 = tpu.memref_squeeze %dma_start3A_382 : memref<1x!tpu.dma_semaphore, #tpu.memory_space<semaphore_mem>> -> memref<!tpu.dma_semaphore, #tpu.memory_space<semaphore_mem>>
      %dma_start3A_384 = arith.constant 0 : i32
      %dma_start3A_385 = tpu.memref_slice %arg5[%mul3A_373, %dma_start3A_384] : memref<204800x64xf32, #tpu.memory_space<hbm>> -> memref<128x64xf32, #tpu.memory_space<hbm>>
      %dma_start3A_386 = arith.constant 0 : i32
      %dma_start3A_387 = arith.constant 0 : i32
      %dma_start3A_388 = tpu.memref_slice %arg7[%dma_start3A_374, %dma_start3A_386, %dma_start3A_387] : memref<5x128x64xf32, #tpu.memory_space<vmem>> -> memref<1x128x64xf32, #tpu.memory_space<vmem>>
      %dma_start3A_389 = tpu.memref_squeeze %dma_start3A_388 : memref<1x128x64xf32, #tpu.memory_space<vmem>> -> memref<128x64xf32, #tpu.memory_space<vmem>>
      tpu.enqueue_dma source(%dma_start3A_389 : memref<128x64xf32, #tpu.memory_space<vmem>>) target(%dma_start3A_385 : memref<128x64xf32, #tpu.memory_space<hbm>>) target_semaphore(%dma_start3A_383 : memref<!tpu.dma_semaphore, #tpu.memory_space<semaphore_mem>>)
      %add3A_390 = arith.constant 5 : i32
      %add3A_391 = arith.addi %add3A_327, %add3A_390 : i32
      %lt3A_392 = arith.constant 50 : i32
      %lt3A_393 = arith.cmpi slt, %add3A_391, %lt3A_392 : i32
      %convert_element_type3A_394 = arith.extui %lt3A_393 : i1 to i32
      %cond3A_395 = arith.constant 0 : i32
      %cond3A_396 = arith.cmpi ne, %convert_element_type3A_394, %cond3A_395 : i32
      scf.if %cond3A_396 {
        %mul3A_539 = arith.constant 50 : i32
        %mul3A_540 = arith.muli %add3A, %mul3A_539 : i32
        %add3A_541 = arith.constant 0 : i32
        %add3A_542 = arith.addi %mul3A_540, %add3A_541 : i32
        %mul3A_543 = arith.constant 128 : i32
        %mul3A_544 = arith.muli %add3A_542, %mul3A_543 : i32
        %dma_wait3A_545 = arith.constant 2 : i32
        %dma_wait3A_546 = arith.constant 2 : i32
        %dma_wait3A_547 = arith.constant 0 : i32
        %dma_wait3A_548 = arith.constant 0 : i32
        %dma_wait3A_549 = tpu.memref_slice %arg7[%dma_wait3A_545, %dma_wait3A_547, %dma_wait3A_548] : memref<5x128x64xf32, #tpu.memory_space<vmem>> -> memref<1x128x64xf32, #tpu.memory_space<vmem>>
        %dma_wait3A_550 = tpu.memref_squeeze %dma_wait3A_549 : memref<1x128x64xf32, #tpu.memory_space<vmem>> -> memref<128x64xf32, #tpu.memory_space<vmem>>
        %dma_wait3A_551 = arith.constant 0 : i32
        %dma_wait3A_552 = tpu.memref_slice %arg5[%mul3A_544, %dma_wait3A_551] : memref<204800x64xf32, #tpu.memory_space<hbm>> -> memref<128x64xf32, #tpu.memory_space<hbm>>
        %dma_wait3A_553 = tpu.memref_slice %arg10[%dma_wait3A_546] : memref<5x!tpu.dma_semaphore, #tpu.memory_space<semaphore_mem>> -> memref<1x!tpu.dma_semaphore, #tpu.memory_space<semaphore_mem>>
        %dma_wait3A_554 = tpu.memref_squeeze %dma_wait3A_553 : memref<1x!tpu.dma_semaphore, #tpu.memory_space<semaphore_mem>> -> memref<!tpu.dma_semaphore, #tpu.memory_space<semaphore_mem>>
        %dma_wait3A_555 = arith.constant 0 : i32
        %dma_wait3A_556 = tpu.memref_slice %arg5[%mul3A_544, %dma_wait3A_555] : memref<204800x64xf32, #tpu.memory_space<hbm>> -> memref<128x64xf32, #tpu.memory_space<hbm>>
        %dma_wait3A_557 = arith.constant 0 : i32
        %dma_wait3A_558 = arith.constant 0 : i32
        %dma_wait3A_559 = tpu.memref_slice %arg7[%dma_wait3A_545, %dma_wait3A_557, %dma_wait3A_558] : memref<5x128x64xf32, #tpu.memory_space<vmem>> -> memref<1x128x64xf32, #tpu.memory_space<vmem>>
        %dma_wait3A_560 = tpu.memref_squeeze %dma_wait3A_559 : memref<1x128x64xf32, #tpu.memory_space<vmem>> -> memref<128x64xf32, #tpu.memory_space<vmem>>
        tpu.wait_dma2 semaphore(%dma_wait3A_554 : memref<!tpu.dma_semaphore, #tpu.memory_space<semaphore_mem>>) src(%dma_wait3A_560 : memref<128x64xf32, #tpu.memory_space<vmem>>) dst(%dma_wait3A_556 : memref<128x64xf32, #tpu.memory_space<hbm>>)
        %add3A_561 = arith.constant 5 : i32
        %add3A_562 = arith.addi %add3A_327, %add3A_561 : i32
        %dma_start3A_563 = arith.constant 2 : i32
        %dma_start3A_564 = arith.constant 2 : i32
        %dma_start3A_565 = arith.constant 0 : i32
        %dma_start3A_566 = arith.constant 0 : i32
        %dma_start3A_567 = tpu.memref_slice %arg7[%dma_start3A_563, %dma_start3A_565, %dma_start3A_566] : memref<5x128x64xf32, #tpu.memory_space<vmem>> -> memref<1x128x64xf32, #tpu.memory_space<vmem>>
        %dma_start3A_568 = tpu.memref_squeeze %dma_start3A_567 : memref<1x128x64xf32, #tpu.memory_space<vmem>> -> memref<128x64xf32, #tpu.memory_space<vmem>>
        %dma_start3A_569 = arith.constant 0 : i32
        %dma_start3A_570 = tpu.memref_slice %arg6[%add3A_562, %dma_start3A_569] : memref<50x128xi32, #tpu.memory_space<vmem>> -> memref<1x128xi32, #tpu.memory_space<vmem>>
        %dma_start3A_571 = tpu.memref_squeeze %dma_start3A_570 : memref<1x128xi32, #tpu.memory_space<vmem>> -> memref<128xi32, #tpu.memory_space<vmem>>
        %dma_start3A_572 = arith.constant 0 : i32
        %dma_start3A_573 = arith.constant 0 : i32
        %dma_start3A_574 = tpu.memref_slice %arg3[%dma_start3A_572, %dma_start3A_573] : memref<1000000x64xf32, #tpu.memory_space<hbm>> -> memref<1000000x64xf32, #tpu.memory_space<hbm>>
        %dma_start3A_575 = tpu.memref_slice %arg9[%dma_start3A_564] : memref<5x!tpu.dma_semaphore, #tpu.memory_space<semaphore_mem>> -> memref<1x!tpu.dma_semaphore, #tpu.memory_space<semaphore_mem>>
        %dma_start3A_576 = tpu.memref_squeeze %dma_start3A_575 : memref<1x!tpu.dma_semaphore, #tpu.memory_space<semaphore_mem>> -> memref<!tpu.dma_semaphore, #tpu.memory_space<semaphore_mem>>
        tpu.enqueue_indirect_dma source(%dma_start3A_574 : memref<1000000x64xf32, #tpu.memory_space<hbm>>) target(%dma_start3A_568 : memref<128x64xf32, #tpu.memory_space<vmem>>) offsets(%dma_start3A_571 : memref<128xi32, #tpu.memory_space<vmem>>) semaphore(%dma_start3A_576 : memref<!tpu.dma_semaphore, #tpu.memory_space<semaphore_mem>>)
      } else {
      }
      %add3A_397 = arith.constant 3 : i32
      %add3A_398 = arith.addi %add3A_192, %add3A_397 : i32
      %dma_wait3A_399 = arith.constant 0 : i32
      %dma_wait3A_400 = arith.constant 3 : i32
      %dma_wait3A_401 = arith.constant 3 : i32
      %dma_wait3A_402 = arith.constant 0 : i32
      %dma_wait3A_403 = arith.constant 0 : i32
      %dma_wait3A_404 = tpu.memref_slice %arg7[%dma_wait3A_400, %dma_wait3A_402, %dma_wait3A_403] : memref<5x128x64xf32, #tpu.memory_space<vmem>> -> memref<1x128x64xf32, #tpu.memory_space<vmem>>
      %dma_wait3A_405 = tpu.memref_squeeze %dma_wait3A_404 : memref<1x128x64xf32, #tpu.memory_space<vmem>> -> memref<128x64xf32, #tpu.memory_space<vmem>>
      %dma_wait3A_406 = arith.constant 0 : i32
      %dma_wait3A_407 = tpu.memref_slice %arg6[%dma_wait3A_399, %dma_wait3A_406] : memref<50x128xi32, #tpu.memory_space<vmem>> -> memref<1x128xi32, #tpu.memory_space<vmem>>
      %dma_wait3A_408 = tpu.memref_squeeze %dma_wait3A_407 : memref<1x128xi32, #tpu.memory_space<vmem>> -> memref<128xi32, #tpu.memory_space<vmem>>
      %dma_wait3A_409 = arith.constant 0 : i32
      %dma_wait3A_410 = arith.constant 0 : i32
      %dma_wait3A_411 = tpu.memref_slice %arg3[%dma_wait3A_409, %dma_wait3A_410] : memref<1000000x64xf32, #tpu.memory_space<hbm>> -> memref<1000000x64xf32, #tpu.memory_space<hbm>>
      %dma_wait3A_412 = tpu.memref_slice %arg9[%dma_wait3A_401] : memref<5x!tpu.dma_semaphore, #tpu.memory_space<semaphore_mem>> -> memref<1x!tpu.dma_semaphore, #tpu.memory_space<semaphore_mem>>
      %dma_wait3A_413 = tpu.memref_squeeze %dma_wait3A_412 : memref<1x!tpu.dma_semaphore, #tpu.memory_space<semaphore_mem>> -> memref<!tpu.dma_semaphore, #tpu.memory_space<semaphore_mem>>
      tpu.wait_indirect_dma semaphore(%dma_wait3A_413 : memref<!tpu.dma_semaphore, #tpu.memory_space<semaphore_mem>>) src(%dma_wait3A_411 : memref<1000000x64xf32, #tpu.memory_space<hbm>>) dst(%dma_wait3A_405 : memref<128x64xf32, #tpu.memory_space<vmem>>)
      %mul3A_414 = arith.constant 50 : i32
      %mul3A_415 = arith.muli %add3A, %mul3A_414 : i32
      %add3A_416 = arith.addi %mul3A_415, %add3A_398 : i32
      %mul3A_417 = arith.constant 128 : i32
      %mul3A_418 = arith.muli %add3A_416, %mul3A_417 : i32
      %jit3A_419 = arith.constant 200 : i32
      %eq3A_420 = arith.constant 0 : i32
      %eq3A_421 = arith.cmpi eq, %jit3A_419, %eq3A_420 : i32
      %jit3A_422 = arith.constant 1 : i32
      %select_n3A_423 = arith.select %eq3A_421, %jit3A_422, %jit3A_419 : i32
      %rem3A_424 = arith.remsi %mul3A_418, %select_n3A_423 : i32
      %ne3A_425 = arith.constant 0 : i32
      %ne3A_426 = arith.cmpi ne, %rem3A_424, %ne3A_425 : i32
      %lt3A_427 = arith.constant 0 : i32
      %lt3A_428 = arith.cmpi slt, %rem3A_424, %lt3A_427 : i32
      %lt3A_429 = arith.constant 0 : i32
      %lt3A_430 = arith.cmpi slt, %select_n3A_423, %lt3A_429 : i32
      %ne3A_431 = arith.xori %lt3A_428, %lt3A_430 : i1
      %and3A_432 = arith.andi %ne3A_431, %ne3A_426 : i1
      %add3A_433 = arith.addi %rem3A_424, %select_n3A_423 : i32
      %select_n3A_434 = arith.select %and3A_432, %add3A_433, %rem3A_424 : i32
      %scan3A_435 = arith.constant 0 : i32
      %scan3A_436 = arith.constant 128 : i32
      %scan3A_437 = arith.addi %scan3A_435, %scan3A_436 : i32
      %scan3A_438 = arith.constant 1 : i32
      scf.for %scan3A_539 = %scan3A_435 to %scan3A_437 step %scan3A_438  : i32 {
        %mul3A_540 = arith.constant 1 : i32
        %mul3A_541 = arith.muli %scan3A_539, %mul3A_540 : i32
        %add3A_542 = arith.constant 0 : i32
        %add3A_543 = arith.addi %add3A_542, %mul3A_541 : i32
        %add3A_544 = arith.addi %select_n3A_434, %add3A_543 : i32
        %get3A = arith.index_cast %add3A_544 : i32 to index
        %get3A_545 = arith.constant 0 : index
        %get3A_546 = tpu.vector_load %arg8[%get3A, %get3A_545] {strides = array<i32>} : memref<400x64xf32, #tpu.memory_space<vmem>>, vector<1x16xf32>,
        %get3A_547 = vector.shape_cast %get3A_546 : vector<1x16xf32> to vector<16xf32>
        %swap3A = arith.constant 3 : i32
        %swap3A_548 = arith.index_cast %swap3A : i32 to index
        %swap3A_549 = arith.index_cast %add3A_543 : i32 to index
        %swap3A_550 = arith.constant 0 : index
        %swap3A_551 = tpu.vector_load %arg7[%swap3A_548, %swap3A_549, %swap3A_550] {strides = array<i32>} : memref<5x128x64xf32, #tpu.memory_space<vmem>>, vector<1x1x16xf32>,
        %swap3A_552 = vector.shape_cast %swap3A_551 : vector<1x1x16xf32> to vector<16xf32>
        %swap3A_553 = vector.shape_cast %get3A_547 : vector<16xf32> to vector<1x1x16xf32>
        tpu.vector_store %arg7[%swap3A_548, %swap3A_549, %swap3A_550], %swap3A_553 {add = true, strides = array<i32>} : memref<5x128x64xf32, #tpu.memory_space<vmem>>, vector<1x1x16xf32>,
        %add3A_554 = arith.addi %select_n3A_434, %add3A_543 : i32
        %get3A_555 = arith.index_cast %add3A_554 : i32 to index
        %get3A_556 = arith.constant 16 : index
        %get3A_557 = tpu.vector_load %arg8[%get3A_555, %get3A_556] {strides = array<i32>} : memref<400x64xf32, #tpu.memory_space<vmem>>, vector<1x16xf32>,
        %get3A_558 = vector.shape_cast %get3A_557 : vector<1x16xf32> to vector<16xf32>
        %swap3A_559 = arith.constant 3 : i32
        %swap3A_560 = arith.index_cast %swap3A_559 : i32 to index
        %swap3A_561 = arith.index_cast %add3A_543 : i32 to index
        %swap3A_562 = arith.constant 16 : index
        %swap3A_563 = tpu.vector_load %arg7[%swap3A_560, %swap3A_561, %swap3A_562] {strides = array<i32>} : memref<5x128x64xf32, #tpu.memory_space<vmem>>, vector<1x1x16xf32>,
        %swap3A_564 = vector.shape_cast %swap3A_563 : vector<1x1x16xf32> to vector<16xf32>
        %swap3A_565 = vector.shape_cast %get3A_558 : vector<16xf32> to vector<1x1x16xf32>
        tpu.vector_store %arg7[%swap3A_560, %swap3A_561, %swap3A_562], %swap3A_565 {add = true, strides = array<i32>} : memref<5x128x64xf32, #tpu.memory_space<vmem>>, vector<1x1x16xf32>,
        %add3A_566 = arith.addi %select_n3A_434, %add3A_543 : i32
        %get3A_567 = arith.index_cast %add3A_566 : i32 to index
        %get3A_568 = arith.constant 32 : index
        %get3A_569 = tpu.vector_load %arg8[%get3A_567, %get3A_568] {strides = array<i32>} : memref<400x64xf32, #tpu.memory_space<vmem>>, vector<1x16xf32>,
        %get3A_570 = vector.shape_cast %get3A_569 : vector<1x16xf32> to vector<16xf32>
        %swap3A_571 = arith.constant 3 : i32
        %swap3A_572 = arith.index_cast %swap3A_571 : i32 to index
        %swap3A_573 = arith.index_cast %add3A_543 : i32 to index
        %swap3A_574 = arith.constant 32 : index
        %swap3A_575 = tpu.vector_load %arg7[%swap3A_572, %swap3A_573, %swap3A_574] {strides = array<i32>} : memref<5x128x64xf32, #tpu.memory_space<vmem>>, vector<1x1x16xf32>,
        %swap3A_576 = vector.shape_cast %swap3A_575 : vector<1x1x16xf32> to vector<16xf32>
        %swap3A_577 = vector.shape_cast %get3A_570 : vector<16xf32> to vector<1x1x16xf32>
        tpu.vector_store %arg7[%swap3A_572, %swap3A_573, %swap3A_574], %swap3A_577 {add = true, strides = array<i32>} : memref<5x128x64xf32, #tpu.memory_space<vmem>>, vector<1x1x16xf32>,
        %add3A_578 = arith.addi %select_n3A_434, %add3A_543 : i32
        %get3A_579 = arith.index_cast %add3A_578 : i32 to index
        %get3A_580 = arith.constant 48 : index
        %get3A_581 = tpu.vector_load %arg8[%get3A_579, %get3A_580] {strides = array<i32>} : memref<400x64xf32, #tpu.memory_space<vmem>>, vector<1x16xf32>,
        %get3A_582 = vector.shape_cast %get3A_581 : vector<1x16xf32> to vector<16xf32>
        %swap3A_583 = arith.constant 3 : i32
        %swap3A_584 = arith.index_cast %swap3A_583 : i32 to index
        %swap3A_585 = arith.index_cast %add3A_543 : i32 to index
        %swap3A_586 = arith.constant 48 : index
        %swap3A_587 = tpu.vector_load %arg7[%swap3A_584, %swap3A_585, %swap3A_586] {strides = array<i32>} : memref<5x128x64xf32, #tpu.memory_space<vmem>>, vector<1x1x16xf32>,
        %swap3A_588 = vector.shape_cast %swap3A_587 : vector<1x1x16xf32> to vector<16xf32>
        %swap3A_589 = vector.shape_cast %get3A_582 : vector<16xf32> to vector<1x1x16xf32>
        tpu.vector_store %arg7[%swap3A_584, %swap3A_585, %swap3A_586], %swap3A_589 {add = true, strides = array<i32>} : memref<5x128x64xf32, #tpu.memory_space<vmem>>, vector<1x1x16xf32>,
      }
      %scan3A_439 = arith.constant 128 : i32
      %mul3A_440 = arith.constant 50 : i32
      %mul3A_441 = arith.muli %add3A, %mul3A_440 : i32
      %add3A_442 = arith.addi %mul3A_441, %add3A_398 : i32
      %mul3A_443 = arith.constant 128 : i32
      %mul3A_444 = arith.muli %add3A_442, %mul3A_443 : i32
      %dma_start3A_445 = arith.constant 3 : i32
      %dma_start3A_446 = arith.constant 3 : i32
      %dma_start3A_447 = arith.constant 0 : i32
      %dma_start3A_448 = arith.constant 0 : i32
      %dma_start3A_449 = tpu.memref_slice %arg7[%dma_start3A_445, %dma_start3A_447, %dma_start3A_448] : memref<5x128x64xf32, #tpu.memory_space<vmem>> -> memref<1x128x64xf32, #tpu.memory_space<vmem>>
      %dma_start3A_450 = tpu.memref_squeeze %dma_start3A_449 : memref<1x128x64xf32, #tpu.memory_space<vmem>> -> memref<128x64xf32, #tpu.memory_space<vmem>>
      %dma_start3A_451 = arith.constant 0 : i32
      %dma_start3A_452 = tpu.memref_slice %arg5[%mul3A_444, %dma_start3A_451] : memref<204800x64xf32, #tpu.memory_space<hbm>> -> memref<128x64xf32, #tpu.memory_space<hbm>>
      %dma_start3A_453 = tpu.memref_slice %arg10[%dma_start3A_446] : memref<5x!tpu.dma_semaphore, #tpu.memory_space<semaphore_mem>> -> memref<1x!tpu.dma_semaphore, #tpu.memory_space<semaphore_mem>>
      %dma_start3A_454 = tpu.memref_squeeze %dma_start3A_453 : memref<1x!tpu.dma_semaphore, #tpu.memory_space<semaphore_mem>> -> memref<!tpu.dma_semaphore, #tpu.memory_space<semaphore_mem>>
      %dma_start3A_455 = arith.constant 0 : i32
      %dma_start3A_456 = tpu.memref_slice %arg5[%mul3A_444, %dma_start3A_455] : memref<204800x64xf32, #tpu.memory_space<hbm>> -> memref<128x64xf32, #tpu.memory_space<hbm>>
      %dma_start3A_457 = arith.constant 0 : i32
      %dma_start3A_458 = arith.constant 0 : i32
      %dma_start3A_459 = tpu.memref_slice %arg7[%dma_start3A_445, %dma_start3A_457, %dma_start3A_458] : memref<5x128x64xf32, #tpu.memory_space<vmem>> -> memref<1x128x64xf32, #tpu.memory_space<vmem>>
      %dma_start3A_460 = tpu.memref_squeeze %dma_start3A_459 : memref<1x128x64xf32, #tpu.memory_space<vmem>> -> memref<128x64xf32, #tpu.memory_space<vmem>>
      tpu.enqueue_dma source(%dma_start3A_460 : memref<128x64xf32, #tpu.memory_space<vmem>>) target(%dma_start3A_456 : memref<128x64xf32, #tpu.memory_space<hbm>>) target_semaphore(%dma_start3A_454 : memref<!tpu.dma_semaphore, #tpu.memory_space<semaphore_mem>>)
      %add3A_461 = arith.constant 5 : i32
      %add3A_462 = arith.addi %add3A_398, %add3A_461 : i32
      %lt3A_463 = arith.constant 50 : i32
      %lt3A_464 = arith.cmpi slt, %add3A_462, %lt3A_463 : i32
      %convert_element_type3A_465 = arith.extui %lt3A_464 : i1 to i32
      %cond3A_466 = arith.constant 0 : i32
      %cond3A_467 = arith.cmpi ne, %convert_element_type3A_465, %cond3A_466 : i32
      scf.if %cond3A_467 {
        %mul3A_539 = arith.constant 50 : i32
        %mul3A_540 = arith.muli %add3A, %mul3A_539 : i32
        %add3A_541 = arith.constant 0 : i32
        %add3A_542 = arith.addi %mul3A_540, %add3A_541 : i32
        %mul3A_543 = arith.constant 128 : i32
        %mul3A_544 = arith.muli %add3A_542, %mul3A_543 : i32
        %dma_wait3A_545 = arith.constant 3 : i32
        %dma_wait3A_546 = arith.constant 3 : i32
        %dma_wait3A_547 = arith.constant 0 : i32
        %dma_wait3A_548 = arith.constant 0 : i32
        %dma_wait3A_549 = tpu.memref_slice %arg7[%dma_wait3A_545, %dma_wait3A_547, %dma_wait3A_548] : memref<5x128x64xf32, #tpu.memory_space<vmem>> -> memref<1x128x64xf32, #tpu.memory_space<vmem>>
        %dma_wait3A_550 = tpu.memref_squeeze %dma_wait3A_549 : memref<1x128x64xf32, #tpu.memory_space<vmem>> -> memref<128x64xf32, #tpu.memory_space<vmem>>
        %dma_wait3A_551 = arith.constant 0 : i32
        %dma_wait3A_552 = tpu.memref_slice %arg5[%mul3A_544, %dma_wait3A_551] : memref<204800x64xf32, #tpu.memory_space<hbm>> -> memref<128x64xf32, #tpu.memory_space<hbm>>
        %dma_wait3A_553 = tpu.memref_slice %arg10[%dma_wait3A_546] : memref<5x!tpu.dma_semaphore, #tpu.memory_space<semaphore_mem>> -> memref<1x!tpu.dma_semaphore, #tpu.memory_space<semaphore_mem>>
        %dma_wait3A_554 = tpu.memref_squeeze %dma_wait3A_553 : memref<1x!tpu.dma_semaphore, #tpu.memory_space<semaphore_mem>> -> memref<!tpu.dma_semaphore, #tpu.memory_space<semaphore_mem>>
        %dma_wait3A_555 = arith.constant 0 : i32
        %dma_wait3A_556 = tpu.memref_slice %arg5[%mul3A_544, %dma_wait3A_555] : memref<204800x64xf32, #tpu.memory_space<hbm>> -> memref<128x64xf32, #tpu.memory_space<hbm>>
        %dma_wait3A_557 = arith.constant 0 : i32
        %dma_wait3A_558 = arith.constant 0 : i32
        %dma_wait3A_559 = tpu.memref_slice %arg7[%dma_wait3A_545, %dma_wait3A_557, %dma_wait3A_558] : memref<5x128x64xf32, #tpu.memory_space<vmem>> -> memref<1x128x64xf32, #tpu.memory_space<vmem>>
        %dma_wait3A_560 = tpu.memref_squeeze %dma_wait3A_559 : memref<1x128x64xf32, #tpu.memory_space<vmem>> -> memref<128x64xf32, #tpu.memory_space<vmem>>
        tpu.wait_dma2 semaphore(%dma_wait3A_554 : memref<!tpu.dma_semaphore, #tpu.memory_space<semaphore_mem>>) src(%dma_wait3A_560 : memref<128x64xf32, #tpu.memory_space<vmem>>) dst(%dma_wait3A_556 : memref<128x64xf32, #tpu.memory_space<hbm>>)
        %add3A_561 = arith.constant 5 : i32
        %add3A_562 = arith.addi %add3A_398, %add3A_561 : i32
        %dma_start3A_563 = arith.constant 3 : i32
        %dma_start3A_564 = arith.constant 3 : i32
        %dma_start3A_565 = arith.constant 0 : i32
        %dma_start3A_566 = arith.constant 0 : i32
        %dma_start3A_567 = tpu.memref_slice %arg7[%dma_start3A_563, %dma_start3A_565, %dma_start3A_566] : memref<5x128x64xf32, #tpu.memory_space<vmem>> -> memref<1x128x64xf32, #tpu.memory_space<vmem>>
        %dma_start3A_568 = tpu.memref_squeeze %dma_start3A_567 : memref<1x128x64xf32, #tpu.memory_space<vmem>> -> memref<128x64xf32, #tpu.memory_space<vmem>>
        %dma_start3A_569 = arith.constant 0 : i32
        %dma_start3A_570 = tpu.memref_slice %arg6[%add3A_562, %dma_start3A_569] : memref<50x128xi32, #tpu.memory_space<vmem>> -> memref<1x128xi32, #tpu.memory_space<vmem>>
        %dma_start3A_571 = tpu.memref_squeeze %dma_start3A_570 : memref<1x128xi32, #tpu.memory_space<vmem>> -> memref<128xi32, #tpu.memory_space<vmem>>
        %dma_start3A_572 = arith.constant 0 : i32
        %dma_start3A_573 = arith.constant 0 : i32
        %dma_start3A_574 = tpu.memref_slice %arg3[%dma_start3A_572, %dma_start3A_573] : memref<1000000x64xf32, #tpu.memory_space<hbm>> -> memref<1000000x64xf32, #tpu.memory_space<hbm>>
        %dma_start3A_575 = tpu.memref_slice %arg9[%dma_start3A_564] : memref<5x!tpu.dma_semaphore, #tpu.memory_space<semaphore_mem>> -> memref<1x!tpu.dma_semaphore, #tpu.memory_space<semaphore_mem>>
        %dma_start3A_576 = tpu.memref_squeeze %dma_start3A_575 : memref<1x!tpu.dma_semaphore, #tpu.memory_space<semaphore_mem>> -> memref<!tpu.dma_semaphore, #tpu.memory_space<semaphore_mem>>
        tpu.enqueue_indirect_dma source(%dma_start3A_574 : memref<1000000x64xf32, #tpu.memory_space<hbm>>) target(%dma_start3A_568 : memref<128x64xf32, #tpu.memory_space<vmem>>) offsets(%dma_start3A_571 : memref<128xi32, #tpu.memory_space<vmem>>) semaphore(%dma_start3A_576 : memref<!tpu.dma_semaphore, #tpu.memory_space<semaphore_mem>>)
      } else {
      }
      %add3A_468 = arith.constant 4 : i32
      %add3A_469 = arith.addi %add3A_192, %add3A_468 : i32
      %dma_wait3A_470 = arith.constant 0 : i32
      %dma_wait3A_471 = arith.constant 4 : i32
      %dma_wait3A_472 = arith.constant 4 : i32
      %dma_wait3A_473 = arith.constant 0 : i32
      %dma_wait3A_474 = arith.constant 0 : i32
      %dma_wait3A_475 = tpu.memref_slice %arg7[%dma_wait3A_471, %dma_wait3A_473, %dma_wait3A_474] : memref<5x128x64xf32, #tpu.memory_space<vmem>> -> memref<1x128x64xf32, #tpu.memory_space<vmem>>
      %dma_wait3A_476 = tpu.memref_squeeze %dma_wait3A_475 : memref<1x128x64xf32, #tpu.memory_space<vmem>> -> memref<128x64xf32, #tpu.memory_space<vmem>>
      %dma_wait3A_477 = arith.constant 0 : i32
      %dma_wait3A_478 = tpu.memref_slice %arg6[%dma_wait3A_470, %dma_wait3A_477] : memref<50x128xi32, #tpu.memory_space<vmem>> -> memref<1x128xi32, #tpu.memory_space<vmem>>
      %dma_wait3A_479 = tpu.memref_squeeze %dma_wait3A_478 : memref<1x128xi32, #tpu.memory_space<vmem>> -> memref<128xi32, #tpu.memory_space<vmem>>
      %dma_wait3A_480 = arith.constant 0 : i32
      %dma_wait3A_481 = arith.constant 0 : i32
      %dma_wait3A_482 = tpu.memref_slice %arg3[%dma_wait3A_480, %dma_wait3A_481] : memref<1000000x64xf32, #tpu.memory_space<hbm>> -> memref<1000000x64xf32, #tpu.memory_space<hbm>>
      %dma_wait3A_483 = tpu.memref_slice %arg9[%dma_wait3A_472] : memref<5x!tpu.dma_semaphore, #tpu.memory_space<semaphore_mem>> -> memref<1x!tpu.dma_semaphore, #tpu.memory_space<semaphore_mem>>
      %dma_wait3A_484 = tpu.memref_squeeze %dma_wait3A_483 : memref<1x!tpu.dma_semaphore, #tpu.memory_space<semaphore_mem>> -> memref<!tpu.dma_semaphore, #tpu.memory_space<semaphore_mem>>
      tpu.wait_indirect_dma semaphore(%dma_wait3A_484 : memref<!tpu.dma_semaphore, #tpu.memory_space<semaphore_mem>>) src(%dma_wait3A_482 : memref<1000000x64xf32, #tpu.memory_space<hbm>>) dst(%dma_wait3A_476 : memref<128x64xf32, #tpu.memory_space<vmem>>)
      %mul3A_485 = arith.constant 50 : i32
      %mul3A_486 = arith.muli %add3A, %mul3A_485 : i32
      %add3A_487 = arith.addi %mul3A_486, %add3A_469 : i32
      %mul3A_488 = arith.constant 128 : i32
      %mul3A_489 = arith.muli %add3A_487, %mul3A_488 : i32
      %jit3A_490 = arith.constant 200 : i32
      %eq3A_491 = arith.constant 0 : i32
      %eq3A_492 = arith.cmpi eq, %jit3A_490, %eq3A_491 : i32
      %jit3A_493 = arith.constant 1 : i32
      %select_n3A_494 = arith.select %eq3A_492, %jit3A_493, %jit3A_490 : i32
      %rem3A_495 = arith.remsi %mul3A_489, %select_n3A_494 : i32
      %ne3A_496 = arith.constant 0 : i32
      %ne3A_497 = arith.cmpi ne, %rem3A_495, %ne3A_496 : i32
      %lt3A_498 = arith.constant 0 : i32
      %lt3A_499 = arith.cmpi slt, %rem3A_495, %lt3A_498 : i32
      %lt3A_500 = arith.constant 0 : i32
      %lt3A_501 = arith.cmpi slt, %select_n3A_494, %lt3A_500 : i32
      %ne3A_502 = arith.xori %lt3A_499, %lt3A_501 : i1
      %and3A_503 = arith.andi %ne3A_502, %ne3A_497 : i1
      %add3A_504 = arith.addi %rem3A_495, %select_n3A_494 : i32
      %select_n3A_505 = arith.select %and3A_503, %add3A_504, %rem3A_495 : i32
      %scan3A_506 = arith.constant 0 : i32
      %scan3A_507 = arith.constant 128 : i32
      %scan3A_508 = arith.addi %scan3A_506, %scan3A_507 : i32
      %scan3A_509 = arith.constant 1 : i32
      scf.for %scan3A_539 = %scan3A_506 to %scan3A_508 step %scan3A_509  : i32 {
        %mul3A_540 = arith.constant 1 : i32
        %mul3A_541 = arith.muli %scan3A_539, %mul3A_540 : i32
        %add3A_542 = arith.constant 0 : i32
        %add3A_543 = arith.addi %add3A_542, %mul3A_541 : i32
        %add3A_544 = arith.addi %select_n3A_505, %add3A_543 : i32
        %get3A = arith.index_cast %add3A_544 : i32 to index
        %get3A_545 = arith.constant 0 : index
        %get3A_546 = tpu.vector_load %arg8[%get3A, %get3A_545] {strides = array<i32>} : memref<400x64xf32, #tpu.memory_space<vmem>>, vector<1x16xf32>,
        %get3A_547 = vector.shape_cast %get3A_546 : vector<1x16xf32> to vector<16xf32>
        %swap3A = arith.constant 4 : i32
        %swap3A_548 = arith.index_cast %swap3A : i32 to index
        %swap3A_549 = arith.index_cast %add3A_543 : i32 to index
        %swap3A_550 = arith.constant 0 : index
        %swap3A_551 = tpu.vector_load %arg7[%swap3A_548, %swap3A_549, %swap3A_550] {strides = array<i32>} : memref<5x128x64xf32, #tpu.memory_space<vmem>>, vector<1x1x16xf32>,
        %swap3A_552 = vector.shape_cast %swap3A_551 : vector<1x1x16xf32> to vector<16xf32>
        %swap3A_553 = vector.shape_cast %get3A_547 : vector<16xf32> to vector<1x1x16xf32>
        tpu.vector_store %arg7[%swap3A_548, %swap3A_549, %swap3A_550], %swap3A_553 {add = true, strides = array<i32>} : memref<5x128x64xf32, #tpu.memory_space<vmem>>, vector<1x1x16xf32>,
        %add3A_554 = arith.addi %select_n3A_505, %add3A_543 : i32
        %get3A_555 = arith.index_cast %add3A_554 : i32 to index
        %get3A_556 = arith.constant 16 : index
        %get3A_557 = tpu.vector_load %arg8[%get3A_555, %get3A_556] {strides = array<i32>} : memref<400x64xf32, #tpu.memory_space<vmem>>, vector<1x16xf32>,
        %get3A_558 = vector.shape_cast %get3A_557 : vector<1x16xf32> to vector<16xf32>
        %swap3A_559 = arith.constant 4 : i32
        %swap3A_560 = arith.index_cast %swap3A_559 : i32 to index
        %swap3A_561 = arith.index_cast %add3A_543 : i32 to index
        %swap3A_562 = arith.constant 16 : index
        %swap3A_563 = tpu.vector_load %arg7[%swap3A_560, %swap3A_561, %swap3A_562] {strides = array<i32>} : memref<5x128x64xf32, #tpu.memory_space<vmem>>, vector<1x1x16xf32>,
        %swap3A_564 = vector.shape_cast %swap3A_563 : vector<1x1x16xf32> to vector<16xf32>
        %swap3A_565 = vector.shape_cast %get3A_558 : vector<16xf32> to vector<1x1x16xf32>
        tpu.vector_store %arg7[%swap3A_560, %swap3A_561, %swap3A_562], %swap3A_565 {add = true, strides = array<i32>} : memref<5x128x64xf32, #tpu.memory_space<vmem>>, vector<1x1x16xf32>,
        %add3A_566 = arith.addi %select_n3A_505, %add3A_543 : i32
        %get3A_567 = arith.index_cast %add3A_566 : i32 to index
        %get3A_568 = arith.constant 32 : index
        %get3A_569 = tpu.vector_load %arg8[%get3A_567, %get3A_568] {strides = array<i32>} : memref<400x64xf32, #tpu.memory_space<vmem>>, vector<1x16xf32>,
        %get3A_570 = vector.shape_cast %get3A_569 : vector<1x16xf32> to vector<16xf32>
        %swap3A_571 = arith.constant 4 : i32
        %swap3A_572 = arith.index_cast %swap3A_571 : i32 to index
        %swap3A_573 = arith.index_cast %add3A_543 : i32 to index
        %swap3A_574 = arith.constant 32 : index
        %swap3A_575 = tpu.vector_load %arg7[%swap3A_572, %swap3A_573, %swap3A_574] {strides = array<i32>} : memref<5x128x64xf32, #tpu.memory_space<vmem>>, vector<1x1x16xf32>,
        %swap3A_576 = vector.shape_cast %swap3A_575 : vector<1x1x16xf32> to vector<16xf32>
        %swap3A_577 = vector.shape_cast %get3A_570 : vector<16xf32> to vector<1x1x16xf32>
        tpu.vector_store %arg7[%swap3A_572, %swap3A_573, %swap3A_574], %swap3A_577 {add = true, strides = array<i32>} : memref<5x128x64xf32, #tpu.memory_space<vmem>>, vector<1x1x16xf32>,
        %add3A_578 = arith.addi %select_n3A_505, %add3A_543 : i32
        %get3A_579 = arith.index_cast %add3A_578 : i32 to index
        %get3A_580 = arith.constant 48 : index
        %get3A_581 = tpu.vector_load %arg8[%get3A_579, %get3A_580] {strides = array<i32>} : memref<400x64xf32, #tpu.memory_space<vmem>>, vector<1x16xf32>,
        %get3A_582 = vector.shape_cast %get3A_581 : vector<1x16xf32> to vector<16xf32>
        %swap3A_583 = arith.constant 4 : i32
        %swap3A_584 = arith.index_cast %swap3A_583 : i32 to index
        %swap3A_585 = arith.index_cast %add3A_543 : i32 to index
        %swap3A_586 = arith.constant 48 : index
        %swap3A_587 = tpu.vector_load %arg7[%swap3A_584, %swap3A_585, %swap3A_586] {strides = array<i32>} : memref<5x128x64xf32, #tpu.memory_space<vmem>>, vector<1x1x16xf32>,
        %swap3A_588 = vector.shape_cast %swap3A_587 : vector<1x1x16xf32> to vector<16xf32>
        %swap3A_589 = vector.shape_cast %get3A_582 : vector<16xf32> to vector<1x1x16xf32>
        tpu.vector_store %arg7[%swap3A_584, %swap3A_585, %swap3A_586], %swap3A_589 {add = true, strides = array<i32>} : memref<5x128x64xf32, #tpu.memory_space<vmem>>, vector<1x1x16xf32>,
      }
      %scan3A_510 = arith.constant 128 : i32
      %mul3A_511 = arith.constant 50 : i32
      %mul3A_512 = arith.muli %add3A, %mul3A_511 : i32
      %add3A_513 = arith.addi %mul3A_512, %add3A_469 : i32
      %mul3A_514 = arith.constant 128 : i32
      %mul3A_515 = arith.muli %add3A_513, %mul3A_514 : i32
      %dma_start3A_516 = arith.constant 4 : i32
      %dma_start3A_517 = arith.constant 4 : i32
      %dma_start3A_518 = arith.constant 0 : i32
      %dma_start3A_519 = arith.constant 0 : i32
      %dma_start3A_520 = tpu.memref_slice %arg7[%dma_start3A_516, %dma_start3A_518, %dma_start3A_519] : memref<5x128x64xf32, #tpu.memory_space<vmem>> -> memref<1x128x64xf32, #tpu.memory_space<vmem>>
      %dma_start3A_521 = tpu.memref_squeeze %dma_start3A_520 : memref<1x128x64xf32, #tpu.memory_space<vmem>> -> memref<128x64xf32, #tpu.memory_space<vmem>>
      %dma_start3A_522 = arith.constant 0 : i32
      %dma_start3A_523 = tpu.memref_slice %arg5[%mul3A_515, %dma_start3A_522] : memref<204800x64xf32, #tpu.memory_space<hbm>> -> memref<128x64xf32, #tpu.memory_space<hbm>>
      %dma_start3A_524 = tpu.memref_slice %arg10[%dma_start3A_517] : memref<5x!tpu.dma_semaphore, #tpu.memory_space<semaphore_mem>> -> memref<1x!tpu.dma_semaphore, #tpu.memory_space<semaphore_mem>>
      %dma_start3A_525 = tpu.memref_squeeze %dma_start3A_524 : memref<1x!tpu.dma_semaphore, #tpu.memory_space<semaphore_mem>> -> memref<!tpu.dma_semaphore, #tpu.memory_space<semaphore_mem>>
      %dma_start3A_526 = arith.constant 0 : i32
      %dma_start3A_527 = tpu.memref_slice %arg5[%mul3A_515, %dma_start3A_526] : memref<204800x64xf32, #tpu.memory_space<hbm>> -> memref<128x64xf32, #tpu.memory_space<hbm>>
      %dma_start3A_528 = arith.constant 0 : i32
      %dma_start3A_529 = arith.constant 0 : i32
      %dma_start3A_530 = tpu.memref_slice %arg7[%dma_start3A_516, %dma_start3A_528, %dma_start3A_529] : memref<5x128x64xf32, #tpu.memory_space<vmem>> -> memref<1x128x64xf32, #tpu.memory_space<vmem>>
      %dma_start3A_531 = tpu.memref_squeeze %dma_start3A_530 : memref<1x128x64xf32, #tpu.memory_space<vmem>> -> memref<128x64xf32, #tpu.memory_space<vmem>>
      tpu.enqueue_dma source(%dma_start3A_531 : memref<128x64xf32, #tpu.memory_space<vmem>>) target(%dma_start3A_527 : memref<128x64xf32, #tpu.memory_space<hbm>>) target_semaphore(%dma_start3A_525 : memref<!tpu.dma_semaphore, #tpu.memory_space<semaphore_mem>>)
      %add3A_532 = arith.constant 5 : i32
      %add3A_533 = arith.addi %add3A_469, %add3A_532 : i32
      %lt3A_534 = arith.constant 50 : i32
      %lt3A_535 = arith.cmpi slt, %add3A_533, %lt3A_534 : i32
      %convert_element_type3A_536 = arith.extui %lt3A_535 : i1 to i32
      %cond3A_537 = arith.constant 0 : i32
      %cond3A_538 = arith.cmpi ne, %convert_element_type3A_536, %cond3A_537 : i32
      scf.if %cond3A_538 {
        %mul3A_539 = arith.constant 50 : i32
        %mul3A_540 = arith.muli %add3A, %mul3A_539 : i32
        %add3A_541 = arith.constant 0 : i32
        %add3A_542 = arith.addi %mul3A_540, %add3A_541 : i32
        %mul3A_543 = arith.constant 128 : i32
        %mul3A_544 = arith.muli %add3A_542, %mul3A_543 : i32
        %dma_wait3A_545 = arith.constant 4 : i32
        %dma_wait3A_546 = arith.constant 4 : i32
        %dma_wait3A_547 = arith.constant 0 : i32
        %dma_wait3A_548 = arith.constant 0 : i32
        %dma_wait3A_549 = tpu.memref_slice %arg7[%dma_wait3A_545, %dma_wait3A_547, %dma_wait3A_548] : memref<5x128x64xf32, #tpu.memory_space<vmem>> -> memref<1x128x64xf32, #tpu.memory_space<vmem>>
        %dma_wait3A_550 = tpu.memref_squeeze %dma_wait3A_549 : memref<1x128x64xf32, #tpu.memory_space<vmem>> -> memref<128x64xf32, #tpu.memory_space<vmem>>
        %dma_wait3A_551 = arith.constant 0 : i32
        %dma_wait3A_552 = tpu.memref_slice %arg5[%mul3A_544, %dma_wait3A_551] : memref<204800x64xf32, #tpu.memory_space<hbm>> -> memref<128x64xf32, #tpu.memory_space<hbm>>
        %dma_wait3A_553 = tpu.memref_slice %arg10[%dma_wait3A_546] : memref<5x!tpu.dma_semaphore, #tpu.memory_space<semaphore_mem>> -> memref<1x!tpu.dma_semaphore, #tpu.memory_space<semaphore_mem>>
        %dma_wait3A_554 = tpu.memref_squeeze %dma_wait3A_553 : memref<1x!tpu.dma_semaphore, #tpu.memory_space<semaphore_mem>> -> memref<!tpu.dma_semaphore, #tpu.memory_space<semaphore_mem>>
        %dma_wait3A_555 = arith.constant 0 : i32
        %dma_wait3A_556 = tpu.memref_slice %arg5[%mul3A_544, %dma_wait3A_555] : memref<204800x64xf32, #tpu.memory_space<hbm>> -> memref<128x64xf32, #tpu.memory_space<hbm>>
        %dma_wait3A_557 = arith.constant 0 : i32
        %dma_wait3A_558 = arith.constant 0 : i32
        %dma_wait3A_559 = tpu.memref_slice %arg7[%dma_wait3A_545, %dma_wait3A_557, %dma_wait3A_558] : memref<5x128x64xf32, #tpu.memory_space<vmem>> -> memref<1x128x64xf32, #tpu.memory_space<vmem>>
        %dma_wait3A_560 = tpu.memref_squeeze %dma_wait3A_559 : memref<1x128x64xf32, #tpu.memory_space<vmem>> -> memref<128x64xf32, #tpu.memory_space<vmem>>
        tpu.wait_dma2 semaphore(%dma_wait3A_554 : memref<!tpu.dma_semaphore, #tpu.memory_space<semaphore_mem>>) src(%dma_wait3A_560 : memref<128x64xf32, #tpu.memory_space<vmem>>) dst(%dma_wait3A_556 : memref<128x64xf32, #tpu.memory_space<hbm>>)
        %add3A_561 = arith.constant 5 : i32
        %add3A_562 = arith.addi %add3A_469, %add3A_561 : i32
        %dma_start3A_563 = arith.constant 4 : i32
        %dma_start3A_564 = arith.constant 4 : i32
        %dma_start3A_565 = arith.constant 0 : i32
        %dma_start3A_566 = arith.constant 0 : i32
        %dma_start3A_567 = tpu.memref_slice %arg7[%dma_start3A_563, %dma_start3A_565, %dma_start3A_566] : memref<5x128x64xf32, #tpu.memory_space<vmem>> -> memref<1x128x64xf32, #tpu.memory_space<vmem>>
        %dma_start3A_568 = tpu.memref_squeeze %dma_start3A_567 : memref<1x128x64xf32, #tpu.memory_space<vmem>> -> memref<128x64xf32, #tpu.memory_space<vmem>>
        %dma_start3A_569 = arith.constant 0 : i32
        %dma_start3A_570 = tpu.memref_slice %arg6[%add3A_562, %dma_start3A_569] : memref<50x128xi32, #tpu.memory_space<vmem>> -> memref<1x128xi32, #tpu.memory_space<vmem>>
        %dma_start3A_571 = tpu.memref_squeeze %dma_start3A_570 : memref<1x128xi32, #tpu.memory_space<vmem>> -> memref<128xi32, #tpu.memory_space<vmem>>
        %dma_start3A_572 = arith.constant 0 : i32
        %dma_start3A_573 = arith.constant 0 : i32
        %dma_start3A_574 = tpu.memref_slice %arg3[%dma_start3A_572, %dma_start3A_573] : memref<1000000x64xf32, #tpu.memory_space<hbm>> -> memref<1000000x64xf32, #tpu.memory_space<hbm>>
        %dma_start3A_575 = tpu.memref_slice %arg9[%dma_start3A_564] : memref<5x!tpu.dma_semaphore, #tpu.memory_space<semaphore_mem>> -> memref<1x!tpu.dma_semaphore, #tpu.memory_space<semaphore_mem>>
        %dma_start3A_576 = tpu.memref_squeeze %dma_start3A_575 : memref<1x!tpu.dma_semaphore, #tpu.memory_space<semaphore_mem>> -> memref<!tpu.dma_semaphore, #tpu.memory_space<semaphore_mem>>
        tpu.enqueue_indirect_dma source(%dma_start3A_574 : memref<1000000x64xf32, #tpu.memory_space<hbm>>) target(%dma_start3A_568 : memref<128x64xf32, #tpu.memory_space<vmem>>) offsets(%dma_start3A_571 : memref<128xi32, #tpu.memory_space<vmem>>) semaphore(%dma_start3A_576 : memref<!tpu.dma_semaphore, #tpu.memory_space<semaphore_mem>>)
      } else {
      }
    }
    %scan3A_78 = arith.constant 10 : i32
    %mul3A_79 = arith.constant 50 : i32
    %mul3A_80 = arith.muli %add3A, %mul3A_79 : i32
    %add3A_81 = arith.constant 0 : i32
    %add3A_82 = arith.addi %mul3A_80, %add3A_81 : i32
    %mul3A_83 = arith.constant 128 : i32
    %mul3A_84 = arith.muli %add3A_82, %mul3A_83 : i32
    %dma_wait3A = arith.constant 0 : i32
    %dma_wait3A_85 = arith.constant 0 : i32
    %dma_wait3A_86 = arith.constant 0 : i32
    %dma_wait3A_87 = arith.constant 0 : i32
    %dma_wait3A_88 = tpu.memref_slice %arg7[%dma_wait3A, %dma_wait3A_86, %dma_wait3A_87] : memref<5x128x64xf32, #tpu.memory_space<vmem>> -> memref<1x128x64xf32, #tpu.memory_space<vmem>>
    %dma_wait3A_89 = tpu.memref_squeeze %dma_wait3A_88 : memref<1x128x64xf32, #tpu.memory_space<vmem>> -> memref<128x64xf32, #tpu.memory_space<vmem>>
    %dma_wait3A_90 = arith.constant 0 : i32
    %dma_wait3A_91 = tpu.memref_slice %arg5[%mul3A_84, %dma_wait3A_90] : memref<204800x64xf32, #tpu.memory_space<hbm>> -> memref<128x64xf32, #tpu.memory_space<hbm>>
    %dma_wait3A_92 = tpu.memref_slice %arg10[%dma_wait3A_85] : memref<5x!tpu.dma_semaphore, #tpu.memory_space<semaphore_mem>> -> memref<1x!tpu.dma_semaphore, #tpu.memory_space<semaphore_mem>>
    %dma_wait3A_93 = tpu.memref_squeeze %dma_wait3A_92 : memref<1x!tpu.dma_semaphore, #tpu.memory_space<semaphore_mem>> -> memref<!tpu.dma_semaphore, #tpu.memory_space<semaphore_mem>>
    %dma_wait3A_94 = arith.constant 0 : i32
    %dma_wait3A_95 = tpu.memref_slice %arg5[%mul3A_84, %dma_wait3A_94] : memref<204800x64xf32, #tpu.memory_space<hbm>> -> memref<128x64xf32, #tpu.memory_space<hbm>>
    %dma_wait3A_96 = arith.constant 0 : i32
    %dma_wait3A_97 = arith.constant 0 : i32
    %dma_wait3A_98 = tpu.memref_slice %arg7[%dma_wait3A, %dma_wait3A_96, %dma_wait3A_97] : memref<5x128x64xf32, #tpu.memory_space<vmem>> -> memref<1x128x64xf32, #tpu.memory_space<vmem>>
    %dma_wait3A_99 = tpu.memref_squeeze %dma_wait3A_98 : memref<1x128x64xf32, #tpu.memory_space<vmem>> -> memref<128x64xf32, #tpu.memory_space<vmem>>
    tpu.wait_dma2 semaphore(%dma_wait3A_93 : memref<!tpu.dma_semaphore, #tpu.memory_space<semaphore_mem>>) src(%dma_wait3A_99 : memref<128x64xf32, #tpu.memory_space<vmem>>) dst(%dma_wait3A_95 : memref<128x64xf32, #tpu.memory_space<hbm>>)
    %mul3A_100 = arith.constant 50 : i32
    %mul3A_101 = arith.muli %add3A, %mul3A_100 : i32
    %add3A_102 = arith.constant 0 : i32
    %add3A_103 = arith.addi %mul3A_101, %add3A_102 : i32
    %mul3A_104 = arith.constant 128 : i32
    %mul3A_105 = arith.muli %add3A_103, %mul3A_104 : i32
    %dma_wait3A_106 = arith.constant 1 : i32
    %dma_wait3A_107 = arith.constant 1 : i32
    %dma_wait3A_108 = arith.constant 0 : i32
    %dma_wait3A_109 = arith.constant 0 : i32
    %dma_wait3A_110 = tpu.memref_slice %arg7[%dma_wait3A_106, %dma_wait3A_108, %dma_wait3A_109] : memref<5x128x64xf32, #tpu.memory_space<vmem>> -> memref<1x128x64xf32, #tpu.memory_space<vmem>>
    %dma_wait3A_111 = tpu.memref_squeeze %dma_wait3A_110 : memref<1x128x64xf32, #tpu.memory_space<vmem>> -> memref<128x64xf32, #tpu.memory_space<vmem>>
    %dma_wait3A_112 = arith.constant 0 : i32
    %dma_wait3A_113 = tpu.memref_slice %arg5[%mul3A_105, %dma_wait3A_112] : memref<204800x64xf32, #tpu.memory_space<hbm>> -> memref<128x64xf32, #tpu.memory_space<hbm>>
    %dma_wait3A_114 = tpu.memref_slice %arg10[%dma_wait3A_107] : memref<5x!tpu.dma_semaphore, #tpu.memory_space<semaphore_mem>> -> memref<1x!tpu.dma_semaphore, #tpu.memory_space<semaphore_mem>>
    %dma_wait3A_115 = tpu.memref_squeeze %dma_wait3A_114 : memref<1x!tpu.dma_semaphore, #tpu.memory_space<semaphore_mem>> -> memref<!tpu.dma_semaphore, #tpu.memory_space<semaphore_mem>>
    %dma_wait3A_116 = arith.constant 0 : i32
    %dma_wait3A_117 = tpu.memref_slice %arg5[%mul3A_105, %dma_wait3A_116] : memref<204800x64xf32, #tpu.memory_space<hbm>> -> memref<128x64xf32, #tpu.memory_space<hbm>>
    %dma_wait3A_118 = arith.constant 0 : i32
    %dma_wait3A_119 = arith.constant 0 : i32
    %dma_wait3A_120 = tpu.memref_slice %arg7[%dma_wait3A_106, %dma_wait3A_118, %dma_wait3A_119] : memref<5x128x64xf32, #tpu.memory_space<vmem>> -> memref<1x128x64xf32, #tpu.memory_space<vmem>>
    %dma_wait3A_121 = tpu.memref_squeeze %dma_wait3A_120 : memref<1x128x64xf32, #tpu.memory_space<vmem>> -> memref<128x64xf32, #tpu.memory_space<vmem>>
    tpu.wait_dma2 semaphore(%dma_wait3A_115 : memref<!tpu.dma_semaphore, #tpu.memory_space<semaphore_mem>>) src(%dma_wait3A_121 : memref<128x64xf32, #tpu.memory_space<vmem>>) dst(%dma_wait3A_117 : memref<128x64xf32, #tpu.memory_space<hbm>>)
    %mul3A_122 = arith.constant 50 : i32
    %mul3A_123 = arith.muli %add3A, %mul3A_122 : i32
    %add3A_124 = arith.constant 0 : i32
    %add3A_125 = arith.addi %mul3A_123, %add3A_124 : i32
    %mul3A_126 = arith.constant 128 : i32
    %mul3A_127 = arith.muli %add3A_125, %mul3A_126 : i32
    %dma_wait3A_128 = arith.constant 2 : i32
    %dma_wait3A_129 = arith.constant 2 : i32
    %dma_wait3A_130 = arith.constant 0 : i32
    %dma_wait3A_131 = arith.constant 0 : i32
    %dma_wait3A_132 = tpu.memref_slice %arg7[%dma_wait3A_128, %dma_wait3A_130, %dma_wait3A_131] : memref<5x128x64xf32, #tpu.memory_space<vmem>> -> memref<1x128x64xf32, #tpu.memory_space<vmem>>
    %dma_wait3A_133 = tpu.memref_squeeze %dma_wait3A_132 : memref<1x128x64xf32, #tpu.memory_space<vmem>> -> memref<128x64xf32, #tpu.memory_space<vmem>>
    %dma_wait3A_134 = arith.constant 0 : i32
    %dma_wait3A_135 = tpu.memref_slice %arg5[%mul3A_127, %dma_wait3A_134] : memref<204800x64xf32, #tpu.memory_space<hbm>> -> memref<128x64xf32, #tpu.memory_space<hbm>>
    %dma_wait3A_136 = tpu.memref_slice %arg10[%dma_wait3A_129] : memref<5x!tpu.dma_semaphore, #tpu.memory_space<semaphore_mem>> -> memref<1x!tpu.dma_semaphore, #tpu.memory_space<semaphore_mem>>
    %dma_wait3A_137 = tpu.memref_squeeze %dma_wait3A_136 : memref<1x!tpu.dma_semaphore, #tpu.memory_space<semaphore_mem>> -> memref<!tpu.dma_semaphore, #tpu.memory_space<semaphore_mem>>
    %dma_wait3A_138 = arith.constant 0 : i32
    %dma_wait3A_139 = tpu.memref_slice %arg5[%mul3A_127, %dma_wait3A_138] : memref<204800x64xf32, #tpu.memory_space<hbm>> -> memref<128x64xf32, #tpu.memory_space<hbm>>
    %dma_wait3A_140 = arith.constant 0 : i32
    %dma_wait3A_141 = arith.constant 0 : i32
    %dma_wait3A_142 = tpu.memref_slice %arg7[%dma_wait3A_128, %dma_wait3A_140, %dma_wait3A_141] : memref<5x128x64xf32, #tpu.memory_space<vmem>> -> memref<1x128x64xf32, #tpu.memory_space<vmem>>
    %dma_wait3A_143 = tpu.memref_squeeze %dma_wait3A_142 : memref<1x128x64xf32, #tpu.memory_space<vmem>> -> memref<128x64xf32, #tpu.memory_space<vmem>>
    tpu.wait_dma2 semaphore(%dma_wait3A_137 : memref<!tpu.dma_semaphore, #tpu.memory_space<semaphore_mem>>) src(%dma_wait3A_143 : memref<128x64xf32, #tpu.memory_space<vmem>>) dst(%dma_wait3A_139 : memref<128x64xf32, #tpu.memory_space<hbm>>)
    %mul3A_144 = arith.constant 50 : i32
    %mul3A_145 = arith.muli %add3A, %mul3A_144 : i32
    %add3A_146 = arith.constant 0 : i32
    %add3A_147 = arith.addi %mul3A_145, %add3A_146 : i32
    %mul3A_148 = arith.constant 128 : i32
    %mul3A_149 = arith.muli %add3A_147, %mul3A_148 : i32
    %dma_wait3A_150 = arith.constant 3 : i32
    %dma_wait3A_151 = arith.constant 3 : i32
    %dma_wait3A_152 = arith.constant 0 : i32
    %dma_wait3A_153 = arith.constant 0 : i32
    %dma_wait3A_154 = tpu.memref_slice %arg7[%dma_wait3A_150, %dma_wait3A_152, %dma_wait3A_153] : memref<5x128x64xf32, #tpu.memory_space<vmem>> -> memref<1x128x64xf32, #tpu.memory_space<vmem>>
    %dma_wait3A_155 = tpu.memref_squeeze %dma_wait3A_154 : memref<1x128x64xf32, #tpu.memory_space<vmem>> -> memref<128x64xf32, #tpu.memory_space<vmem>>
    %dma_wait3A_156 = arith.constant 0 : i32
    %dma_wait3A_157 = tpu.memref_slice %arg5[%mul3A_149, %dma_wait3A_156] : memref<204800x64xf32, #tpu.memory_space<hbm>> -> memref<128x64xf32, #tpu.memory_space<hbm>>
    %dma_wait3A_158 = tpu.memref_slice %arg10[%dma_wait3A_151] : memref<5x!tpu.dma_semaphore, #tpu.memory_space<semaphore_mem>> -> memref<1x!tpu.dma_semaphore, #tpu.memory_space<semaphore_mem>>
    %dma_wait3A_159 = tpu.memref_squeeze %dma_wait3A_158 : memref<1x!tpu.dma_semaphore, #tpu.memory_space<semaphore_mem>> -> memref<!tpu.dma_semaphore, #tpu.memory_space<semaphore_mem>>
    %dma_wait3A_160 = arith.constant 0 : i32
    %dma_wait3A_161 = tpu.memref_slice %arg5[%mul3A_149, %dma_wait3A_160] : memref<204800x64xf32, #tpu.memory_space<hbm>> -> memref<128x64xf32, #tpu.memory_space<hbm>>
    %dma_wait3A_162 = arith.constant 0 : i32
    %dma_wait3A_163 = arith.constant 0 : i32
    %dma_wait3A_164 = tpu.memref_slice %arg7[%dma_wait3A_150, %dma_wait3A_162, %dma_wait3A_163] : memref<5x128x64xf32, #tpu.memory_space<vmem>> -> memref<1x128x64xf32, #tpu.memory_space<vmem>>
    %dma_wait3A_165 = tpu.memref_squeeze %dma_wait3A_164 : memref<1x128x64xf32, #tpu.memory_space<vmem>> -> memref<128x64xf32, #tpu.memory_space<vmem>>
    tpu.wait_dma2 semaphore(%dma_wait3A_159 : memref<!tpu.dma_semaphore, #tpu.memory_space<semaphore_mem>>) src(%dma_wait3A_165 : memref<128x64xf32, #tpu.memory_space<vmem>>) dst(%dma_wait3A_161 : memref<128x64xf32, #tpu.memory_space<hbm>>)
    %mul3A_166 = arith.constant 50 : i32
    %mul3A_167 = arith.muli %add3A, %mul3A_166 : i32
    %add3A_168 = arith.constant 0 : i32
    %add3A_169 = arith.addi %mul3A_167, %add3A_168 : i32
    %mul3A_170 = arith.constant 128 : i32
    %mul3A_171 = arith.muli %add3A_169, %mul3A_170 : i32
    %dma_wait3A_172 = arith.constant 4 : i32
    %dma_wait3A_173 = arith.constant 4 : i32
    %dma_wait3A_174 = arith.constant 0 : i32
    %dma_wait3A_175 = arith.constant 0 : i32
    %dma_wait3A_176 = tpu.memref_slice %arg7[%dma_wait3A_172, %dma_wait3A_174, %dma_wait3A_175] : memref<5x128x64xf32, #tpu.memory_space<vmem>> -> memref<1x128x64xf32, #tpu.memory_space<vmem>>
    %dma_wait3A_177 = tpu.memref_squeeze %dma_wait3A_176 : memref<1x128x64xf32, #tpu.memory_space<vmem>> -> memref<128x64xf32, #tpu.memory_space<vmem>>
    %dma_wait3A_178 = arith.constant 0 : i32
    %dma_wait3A_179 = tpu.memref_slice %arg5[%mul3A_171, %dma_wait3A_178] : memref<204800x64xf32, #tpu.memory_space<hbm>> -> memref<128x64xf32, #tpu.memory_space<hbm>>
    %dma_wait3A_180 = tpu.memref_slice %arg10[%dma_wait3A_173] : memref<5x!tpu.dma_semaphore, #tpu.memory_space<semaphore_mem>> -> memref<1x!tpu.dma_semaphore, #tpu.memory_space<semaphore_mem>>
    %dma_wait3A_181 = tpu.memref_squeeze %dma_wait3A_180 : memref<1x!tpu.dma_semaphore, #tpu.memory_space<semaphore_mem>> -> memref<!tpu.dma_semaphore, #tpu.memory_space<semaphore_mem>>
    %dma_wait3A_182 = arith.constant 0 : i32
    %dma_wait3A_183 = tpu.memref_slice %arg5[%mul3A_171, %dma_wait3A_182] : memref<204800x64xf32, #tpu.memory_space<hbm>> -> memref<128x64xf32, #tpu.memory_space<hbm>>
    %dma_wait3A_184 = arith.constant 0 : i32
    %dma_wait3A_185 = arith.constant 0 : i32
    %dma_wait3A_186 = tpu.memref_slice %arg7[%dma_wait3A_172, %dma_wait3A_184, %dma_wait3A_185] : memref<5x128x64xf32, #tpu.memory_space<vmem>> -> memref<1x128x64xf32, #tpu.memory_space<vmem>>
    %dma_wait3A_187 = tpu.memref_squeeze %dma_wait3A_186 : memref<1x128x64xf32, #tpu.memory_space<vmem>> -> memref<128x64xf32, #tpu.memory_space<vmem>>
    tpu.wait_dma2 semaphore(%dma_wait3A_181 : memref<!tpu.dma_semaphore, #tpu.memory_space<semaphore_mem>>) src(%dma_wait3A_187 : memref<128x64xf32, #tpu.memory_space<vmem>>) dst(%dma_wait3A_183 : memref<128x64xf32, #tpu.memory_space<hbm>>)
    return
  }
}

</mosaic_0001>

<sc_bundles>
// kernel: _embed_sc.3.cloned.1.call-start
scs
__scs_entry_jumppad:
0x0: {  	(pc) =	sbr.rel $0x88, $3  }
0x1: {  	(tag) =	ssettag $0x0;
	lr =	simm.s32 $0x1  }
0x2: {  	[smem:$0x3F9E] =	sst lr;
	_ =	strace $0xD0000000  }
0x3: {  	_ = 	snop  }
0x4: {  	_ = 	snop  }
0x5: {  	_ = 	snop  }
0x6: {  	_ = 	snop  }
0x7: {  	_ = 	snop  }
__scs_overlays_trampoline_lowered:
0x8: {  	[smem:$0x3FAD] =	sst s0  }
0x9: {  	[smem:$0x3FAE] =	sst s1  }
0xa: {  	[smem:$0x3FAF] =	sst s2  }
0xb: {  	[smem:$0x3FB0] =	sst s3  }
0xc: {  	[smem:$0x3FB1] =	sst s4  }
0xd: {  	[smem:$0x3FB2] =	sst s5  }
0xe: {  	[smem:$0x3FB3] =	sst s6  }
0xf: {  	[smem:$0x3FB4] =	sst s7  }
0x10: {  	[smem:$0x3FB5] =	sst s8  }
0x11: {  	[smem:$0x3FB6] =	sst s9;
	s0 =	simm.s32 @!p0 $0x0  }
0x12: {  	s1 =	sld [smem:$0x3F9C];
	s0 =	simm.s32 @p0 $0x1  }
0x13: {  	[smem:$0x3FB7] =	sst s0;
	s0 =	simm.s32 @!p1 $0x0  }
0x14: {  	s2 =	sld [smem:$0x3F9B];
	s0 =	simm.s32 @p1 $0x1  }
0x15: {  	[smem:$0x3FB8] =	sst s0;
	s0 =	simm.s32 @!p2 $0x0  }
0x16: {  	s3 =	sld [smem:$0x3FDB];
	s0 =	simm.s32 @p2 $0x1  }
0x17: {  	s4 =	simm.s32 $0x1BF5;
	[smem:$0x3FBA] =	sst s0  }
0x18: {  	s0 =	sld [smem:$0x3F9D];
	_ =	swait.ge [sflag:s4], $0x0  }
0x19: {  	s7 =	sld [smem:$0x3F9E]  }
0x1a: {  	s8 =	sadd.s32 $0xFFFFE003, lr  }
0x1b: {  	s9 =	sadd.s32 $0xFFFFFEF7, lr;
	s5 =	simm.s32 $0xFFFFFFFF;
	p2 =	slt.u32 s8, $0xFFFFF086  }
0x1c: {  	p1 =	slt.u32 s9, $0xF7A;
	s5 =	simm.s32 @!p2 $0x0  }
0x1d: {  	s5 =	simm.s32 @p1 $0x1;
	p0 =	seq.s32 s7, s2  }
0x1e: {  	s7 =	smul.u32 @!p0 $0xF7A, s2;
	p2 =	seq.s32 @!p0 s5, $0x0  }
0x1f: {  	s9 =	smul.u32 $0xF7A, s1;
	s8 =	simm.s32 @!p0 $0x1BF5;
	p2 =	por !p2, p0  }
0x20: {  	[sflag:s8] =	ssyncset.s32 @!p0 $0xFFFFF086;
	s6 =	sadd.s32 @!p0 s3, s7;
	s7 =	simm.s32 @!p0 $0x108  }
0x21: {  	s3 =	sadd.s32 s3, s9;
	s6 =	sadd.s32 @!p0 $0x88, s6;
	s7 =	simm.s32 @p2 $0x1082  }
0x22: {  	[simem:s7], [sflag:s8] =	dma.local @!p0 [hbm:s6], $0xF7A  }
0x23: {  	s9 =	sor.u32 $0xD0000000, s2;
	s6 =	simm.s32 $0x108;
	_ =	swait.ge @!p0 [sflag:s8], $0x0  }
0x24: {  	s3 =	sadd.s32 $0x88, s3;
	s6 =	simm.s32 @!p1 $0x1082;
	[sflag:s4] =	ssyncset.s32 $0xFFFFF086  }
0x25: {  	[simem:s6], [sflag:s4] =	dma.local [hbm:s3], $0xF7A  }
0x26: {  	[smem:$0x3F9E] =	sst s1;
	(tag) =	ssettag s2;
	_ =	strace s9  }
0x27: {  	s1 =	sld [smem:$0x3FAE]  }
0x28: {  	s2 =	sld [smem:$0x3FAF]  }
0x29: {  	s4 =	sld [smem:$0x3FB1]  }
0x2a: {  	p0 =	seq.s32 s5, $0x0;
	s5 =	sld [smem:$0x3FB2]  }
0x2b: {  	s6 =	sld [smem:$0x3FB3]  }
0x2c: {  	s7 =	sld [smem:$0x3FB4]  }
0x2d: {  	s3 =	simm.s32 $0x108;
	s8 =	sld [smem:$0x3FB5]  }
0x2e: {  	s3 =	simm.s32 @!p0 $0x1082;
	s9 =	sld [smem:$0x3FB6]  }
0x2f: {  	lr =	sadd.s32 s0, s3;
	s0 =	sld [smem:$0x3FAD]  }
0x30: {  	s3 =	sld [smem:$0x3FB0]  }
0x31: {  	[smem:$0x3FB9] =	sst s10  }
0x32: {  	s10 =	sld [smem:$0x3FB7];
	_ =	sdelay $0x3  }
0x33: {  	p0 =	seq.s32 s10, $0x1;
	s10 =	sld [smem:$0x3FB9];
	_ =	sdelay $0x3  }
0x34: {  	[smem:$0x3FB9] =	sst s10  }
0x35: {  	s10 =	sld [smem:$0x3FB8];
	_ =	sdelay $0x3  }
0x36: {  	p1 =	seq.s32 s10, $0x1;
	s10 =	sld [smem:$0x3FB9];
	_ =	sdelay $0x3  }
0x37: {  	[smem:$0x3FB9] =	sst s10  }
0x38: {  	s10 =	sld [smem:$0x3FBA]  }
0x39: {  	_ = 	snop;
	(pc) =	sbr.ind lr, $3  }
0x3a: {  	_ = 	snop  }
0x3b: {  	_ = 	snop  }
0x3c: {  	p2 =	seq.s32 s10, $0x1;
	s10 =	sld [smem:$0x3FB9]  }
0x3d: {  	_ =	shalt  }
0x3e: {  	_ =	shalt  }
0x3f: {  	_ =	shalt  }
0x40: {  	_ =	shalt  }
0x41: {  	_ =	shalt  }
0x42: {  	_ =	shalt  }
0x43: {  	_ =	shalt  }
0x44: {  	_ =	shalt  }
0x45: {  	_ =	shalt  }
0x46: {  	_ =	shalt  }
0x47: {  	_ =	shalt  }
0x48: {  	_ =	shalt  }
0x49: {  	_ =	shalt  }
0x4a: {  	_ =	shalt  }
0x4b: {  	_ =	shalt  }
0x4c: {  	_ =	shalt  }
0x4d: {  	_ =	shalt  }
0x4e: {  	_ =	shalt  }
0x4f: {  	_ =	shalt  }
0x50: {  	_ =	shalt  }
0x51: {  	_ =	shalt  }
0x52: {  	_ =	shalt  }
0x53: {  	_ =	shalt  }
0x54: {  	_ =	shalt  }
0x55: {  	_ =	shalt  }
0x56: {  	_ =	shalt  }
0x57: {  	_ =	shalt  }
0x58: {  	_ =	shalt  }
0x59: {  	_ =	shalt  }
0x5a: {  	_ =	shalt  }
0x5b: {  	_ =	shalt  }
0x5c: {  	_ =	shalt  }
0x5d: {  	_ =	shalt  }
0x5e: {  	_ =	shalt  }
0x5f: {  	_ =	shalt  }
0x60: {  	_ =	shalt  }
0x61: {  	_ =	shalt  }
0x62: {  	_ =	shalt  }
0x63: {  	_ =	shalt  }
0x64: {  	_ =	shalt  }
0x65: {  	_ =	shalt  }
0x66: {  	_ =	shalt  }
0x67: {  	_ =	shalt  }
0x68: {  	_ =	shalt  }
0x69: {  	_ =	shalt  }
0x6a: {  	_ =	shalt  }
0x6b: {  	_ =	shalt  }
0x6c: {  	_ =	shalt  }
0x6d: {  	_ =	shalt  }
0x6e: {  	_ =	shalt  }
0x6f: {  	_ =	shalt  }
0x70: {  	_ =	shalt  }
0x71: {  	_ =	shalt  }
0x72: {  	_ =	shalt  }
0x73: {  	_ =	shalt  }
0x74: {  	_ =	shalt  }
0x75: {  	_ =	shalt  }
0x76: {  	_ =	shalt  }
0x77: {  	_ =	shalt  }
0x78: {  	_ =	shalt  }
0x79: {  	_ =	shalt  }
0x7a: {  	_ =	shalt  }
0x7b: {  	_ =	shalt  }
0x7c: {  	_ =	shalt  }
0x7d: {  	_ =	shalt  }
0x7e: {  	_ =	shalt  }
0x7f: {  	_ =	shalt  }
0x80: {  	_ =	shalt  }
0x81: {  	_ =	shalt  }
0x82: {  	_ =	shalt  }
0x83: {  	_ =	shalt  }
0x84: {  	_ =	shalt  }
0x85: {  	_ =	shalt  }
0x86: {  	_ =	shalt  }
0x87: {  	_ =	shalt  }
.Lfunc_end0:
.L_simem_size_0:
called_computation.1_lowered:
.L_overlay_start_0:
0x88: {  	s2 =	sld [smem:$0x3FD9]  }
0x89: {  	s3 =	sld [smem:$0x3FFE];
	_ =	sdelay $0x1  }
0x8a: {  	s1 =	srdreg.scid  }
0x8b: {  	s0 =	sand.u32 $0x1, s1  }
0x8c: {  	s17 =	sshll.u32 s0, $0xA;
	s2 =	sadd.s32 s3, s2  }
0x8d: {  	s2 =	sadd.s32 s2, s17  }
0x8e: {  	[smem:$0x3FC5] =	sst s2  }
0x8f: {  	_ = 	snop  }
0x90: {  	s2 =	sld [smem:$0x3FD0];
	(tm) =	ssettm $0x1  }
0x91: {  	s18 =	sld [smem:$0x3FFB];
	_ =	sdelay $0x3  }
0x92: {  	_ =	strace s18  }
0x93: {  	s3 =	sld [smem:$0x3FFC];
	_ =	sdelay $0x3  }
0x94: {  	_ =	strace s3  }
0x95: {  	s3 =	sld [smem:$0x3FFD];
	_ =	sdelay $0x3  }
0x96: {  	_ =	strace s3  }
0x97: {  	_ =	strace $0x8FFFFFFF  }
0x98: {  	s19 =	sld [smem:$0x3FDB];
	_ =	sdelay $0x1  }
0x99: {  	s4 =	simm.s32 $_scs_section_size  }
0x9a: {  	s5 =	simm.s32 $_size__tile_overlayer_lowered;
	s6 =	simm.s32 $_tile_overlayer_lowered  }
0x9b: {  	s22 =	simm.s32 $0x1BFF;
	s21 =	sshll.u32 s6, $0x1;
	s3 =	sadd.s32 s4, s19  }
0x9c: {  	s7 =	simm.s32 $0x0;
	s20 =	sshll.u32 s5, $0x1;
	s5 =	sadd.s32 s21, s3  }
0x9d: {  	[timem:s7], [sflag:s22] =	dma.local [hbm:s5], s20  }
0x9e: {  	_ =	swait.ge [sflag:s22], s20  }
0x9f: {  	s4 =	ssub.s32 $0x0, s20;
	[sflag:s22] =	ssyncset.done $0x0  }
0xa0: {  	[sflag:s22] =	ssyncadd.s32 s4;
	_ =	sdelay $0x1  }
0xa1: {  	s23 =	simm.s32 $0x1B8B  }
0xa2: {  	_ =	swait.ge [sflag:s23], $0x1  }
0xa3: {  	[sflag:s23] =	ssyncset.done $0x0  }
0xa4: {  	s25 =	simm.s32 $0x1B8E;
	s24 =	sld [smem:$0x3FFE];
	[sflag:s23] =	ssyncadd.s32 $0xFFFFFFFF  }
0xa5: {  	s26 =	simm.s32 $execute0_lowered;
	[smem:$0x3FD2] =	sst s25  }
0xa6: {  	s5 =	sshll.u32 s26, $0x1;
	_ =	strace $0x80000046;
	[dreg:$0x1] =	wrdreg $0xFFFFFFFF  }
0xa7: {  	s28 =	simm.s32 $_size_execute0_lowered;
	s3 =	sadd.s32 s3, s5;
	[dreg:$0x0] =	wrdreg $0x0  }
0xa8: {  	s5 =	sshll.u32 s28, $0x1;
	[dreg:$0x2] =	wrdreg s3  }
0xa9: {  	[dreg:$0x3] =	wrdreg s5  }
0xaa: {  	[dreg:$0x4] =	wrdreg $0xC0  }
0xab: {  	_ =	task [dreg:s7], $0x5FFFF  }
0xac: {  	[dreg:$0x1] =	wrdreg $0xFFFFFFFF  }
0xad: {  	[dreg:$0x0] =	wrdreg $0x60  }
0xae: {  	[dreg:$0x2] =	wrdreg s24  }
0xaf: {  	[dreg:$0x3] =	wrdreg s2  }
0xb0: {  	[dreg:$0x4] =	wrdreg $0x9  }
0xb1: {  	_ =	task.clear_ibuf [dreg:s7], $0x5FFFF;
	_ =	strace $0x90000046  }
0xb2: {  	s29 =	simm.s32 $0x9;
	_ =	strace $0x80000048  }
0xb3: {  	_ =	swait.ge [sflag:s29], $0x1  }
0xb4: {  	[sflag:s29] =	ssyncadd.s32 $0xFFFFFFFF  }
0xb5: {  	_ =	strace $0x90000048  }
0xb6: {  	_ =	sfence  }
0xb7: {  	s30 =	sld [smem:$0x0];
	_ =	sdelay $0x2  }
0xb8: {  	s31 =	sshll.u32 s1, $0xD;
	s1 =	sshrl.u32 s1, $0x2  }
0xb9: {  	s3 =	sand.u32 $0x4000, s31;
	s1 =	sadd.s32 s1, s30  }
0xba: {  	s0 =	sor.u32 s3, s0;
	s1 =	sshll.u32 s1, $0x11  }
0xbb: {  	s0 =	sor.u32 s1, s0  }
0xbc: {  	s0 =	sadd.s32 $0x8F2B, s0  }
0xbd: {  	[sflag:s0] =	ssyncadd.remote.s32 $0x1  }
0xbe: {  	_ =	sfence.sel $0xFFFF  }
0xbf: {  	[dreg:$0x0] =	wrdreg $0xFFFFFFFF;
	(pc) =	sbr.abs _section_cstart, $3  }
0xc0: {  	[dreg:$0x1] =	wrdreg $0xFFFFFFFF  }
0xc1: {  	_ =	task.clear_ibuf [dreg:s7], $0x2FFFF;
	_ =	strace $0x9FFFFFFF  }
0xc2: {  	(tm) =	ssettm $0x7FFFFFFF  }
0xc3: {  	_ =	shalt  }
tec
execute0_lowered:
.L_overlay_start_1:
0x0: {  	(tag) =	ssettag $0x1  }
0x1: {  	s9 =	stileid.u32  }
0x2: {  	s12 =	smul.u32 $0x320000, s9  }
0x3: {  	s0 =	srdreg.scid;
	s16 =	smul.u32 $0x64, s9  }
0x4: {  	s0 =	sand.u32 $0x1, s0;
	s19 =	smul.u32 $0x3200, s9  }
0x5: {  	s1 =	rddreg [dreg:$0x0];
	s13 =	smul.u32 $0x190000, s0  }
0x6: {  	s2 =	rddreg [dreg:$0x1];
	s3 =	sshll.u32 s9, $0x1;
	s17 =	smul.u32 $0x32, s0  }
0x7: {  	s5 =	sor.u32 s0, s3;
	s7 =	ssub.s32 $0x2, s0;
	s0 =	smul.u32 $0x1900, s0  }
0x8: {  	s29 =	simm.s32 $0x2;
	s3 =	simm.s32 $0x0;
	s4 =	smul.u32 $0x320, s5  }
0x9: {  	s31 =	simm.s32 $0x3;
	[smem:$0x7FF] =	sst s3;
	s8 =	smul.u32 $0x32, s5  }
0xa: {  	s11 =	sshrl.u32 s7, $0x1;
	s5 =	simm.s32 $0x0;
	_ =	strace $0x80000047  }
0xb: {  	s18 =	sadd.s32 s13, s12;
	s0 =	sadd.s32 s0, s19;
	s6 =	sadd.s32 s4, s1  }
0xc: {  	s4 =	sadd.s32 $0xF43000, s1;
	s1 =	sadd.s32 $0x7000, s1;
	[dreg:$0xa] =	wrdreg s0  }
0xd: {  	s14 =	sor.u32 $0x1, s8;
	s15 =	sadd.s32 $0x2, s8;
	[dreg:$0x3] =	wrdreg s1  }
0xe: {  	s10 =	sadd.s32 $0x3, s8;
	s21 =	sadd.s32 $0x10080, s18;
	[dreg:$0x5] =	wrdreg s14  }
0xf: {  	s24 =	sadd.s32 $0x18080, s18;
	s1 =	ssub.s32 s7, s11;
	[dreg:$0x6] =	wrdreg s15  }
0x10: {  	s6 =	sadd.s32 $0xC00, s6;
	[dreg:$0x7] =	wrdreg s10;
	s10 =	smov.u32 s8  }
0x11: {  	s11 =	sadd.s32 $0x4, s8;
	s7 =	sadd.s32 s17, s16;
	s23 =	sshrl.u32 s21, $0x2  }
0x12: {  	s16 =	simm.s32 $0xA;
	[dreg:$0x4] =	wrdreg s6;
	s1 =	smax.u32 s1, $0x1  }
0x13: {  	s6 =	sshrl.u32 s18, $0x2;
	s0 =	sadd.s32 $0xB900, s23;
	[dreg:$0x8] =	wrdreg s1  }
0x14: {  	s20 =	sshll.u32 s7, $0x7;
	s6 =	sadd.s32 $0xB900, s6;
	[dreg:$0xc] =	wrdreg s0  }
0x15: {  	s7 =	simm.s32 $0x5;
	s22 =	sor.u32 $0x80, s20;
	[dreg:$0x9] =	wrdreg s6  }
0x16: {  	s1 =	sadd.s32 $0x20080, s18;
	s25 =	sadd.s32 $0x100, s20;
	[dreg:$0xb] =	wrdreg s22  }
.Ltmp0:
0x17: {  	s26 =	sadd.s32 $0x180, s20;
	[dreg:$0xd] =	wrdreg s25;
	(pc) =	sbr.rel .LBB2_1-.Ltmp0, $4  }
0x18: {  	s0 =	sshrl.u32 s24, $0x2;
	s30 =	sadd.s32 $0x200, s20;
	[dreg:$0xf] =	wrdreg s26  }
0x19: {  	s1 =	sshrl.u32 s1, $0x2;
	s0 =	sadd.s32 $0xB900, s0;
	[dreg:$0x11] =	wrdreg s30  }
0x1a: {  	s24 =	simm.s32 $0x1;
	[dreg:$0xe] =	wrdreg s0;
	s28 =	sadd.s32 $0xB900, s1  }
0x1b: {  	s22 =	simm.s32 $0x9900;
	s0 =	simm.s32 $0x4;
	[dreg:$0x10] =	wrdreg s28  }
.LBB2_14:
0x1c: {  	s1 =	simm.s32 $0x6  }
0x1d: {  	_ =	swait.ge [sflag:s1], $0x2000  }
0x1e: {  	[sflag:s1] =	ssyncset.done $0x0  }
0x1f: {  	s25 =	simm.s32 $0x7;
	[sflag:s1] =	ssyncadd.s32 $0xFFFFE000  }
0x20: {  	_ =	swait.ge [sflag:s25], $0x2000  }
0x21: {  	[sflag:s25] =	ssyncset.done $0x0  }
0x22: {  	s26 =	simm.s32 $0x8;
	[sflag:s25] =	ssyncadd.s32 $0xFFFFE000  }
0x23: {  	_ =	swait.ge [sflag:s26], $0x2000  }
0x24: {  	[sflag:s26] =	ssyncset.done $0x0  }
0x25: {  	s28 =	simm.s32 $0x9;
	[sflag:s26] =	ssyncadd.s32 $0xFFFFE000  }
0x26: {  	_ =	swait.ge [sflag:s28], $0x2000  }
0x27: {  	[sflag:s28] =	ssyncset.done $0x0  }
0x28: {  	[sflag:s28] =	ssyncadd.s32 $0xFFFFE000  }
0x29: {  	_ =	swait.ge [sflag:s16], $0x2000  }
0x2a: {  	s5 =	rddreg [dreg:$0x12]  }
0x2b: {  	s30 =	rddreg [dreg:$0x8];
	s5 =	sadd.s32 $0x1, s5  }
0x2c: {  	p0 =	sne.s32 s5, s30  }
.Ltmp1:
0x2d: {  	_ = 	snop;
	(pc) =	sbr.rel @!p0 .LBB2_15-.Ltmp1, $3  }
0x2e: {  	_ =	sdelay $0x1  }
0x2f: {  	[sflag:s16] =	ssyncset.done $0x0  }
0x30: {  	[sflag:s16] =	ssyncadd.s32 $0xFFFFE000  }
.LBB2_1:
0x31: {  	[dreg:$0x12] =	wrdreg s5  }
0x32: {  	s1 =	rddreg [dreg:$0x3];
	s15 =	simm.s32 $0xB900;
	s17 =	simm.s32 $0xB  }
0x33: {  	[tilespmem:s15], [sflag:$0xB] =	stream.linear.gather [hbm4b:s1+s3], $0x3200, $0x38;
	[tilespmem:$0x11D00] =	vst v63  }
0x34: {  	_ =	swait.ge [sflag:s17], $0x3200  }
0x35: {  	[sflag:s17] =	ssyncset.done $0x0  }
0x36: {  	s6 =	simm.s32 $0xEB00;
	[sflag:s17] =	ssyncadd.s32 $0xFFFFCE00  }
0x37: {  	[tilespmem:s6], [sflag:$0xB] =	stream.linear.gather [hbm4b:s1+s3], $0x3200, $0x38;
	[tilespmem:$0x11D00] =	vst v63  }
0x38: {  	_ =	swait.ge [sflag:s17], $0x3200  }
0x39: {  	[sflag:s17] =	ssyncset.done $0x0  }
0x3a: {  	s18 =	rddreg [dreg:$0x4];
	[sflag:s17] =	ssyncadd.s32 $0xFFFFCE00  }
0x3b: {  	[tilespmem:s3], [sflag:$0xB] =	stream.linear.gather [hbm4b:s18+s3], $0x1900, $0x38;
	[tilespmem:$0x11D00] =	vst v63  }
0x3c: {  	_ =	swait.ge [sflag:s17], $0x1900  }
0x3d: {  	s18 =	rddreg [dreg:$0xe]  }
0x3e: {  	s12 =	rddreg [dreg:$0xd]  }
0x3f: {  	s19 =	simm.s32 $0x80;
	[sflag:s17] =	ssyncset.done $0x0;
	s13 =	rddreg [dreg:$0xc]  }
0x40: {  	s20 =	simm.s32 $0x1900;
	s14 =	rddreg [dreg:$0xb];
	[sflag:s17] =	ssyncadd.s32 $0xFFFFE700  }
0x41: {  	[tilespmem:s20], [sflag:$0x1] =	stream.indirect.gather [hbm4b:s4+s19], $0x40, s3, s19, $0xb8;
	[tilespmem:$0x11D00] =	vst v63  }
0x42: {  	s21 =	simm.s32 $0x3900;
	s15 =	rddreg [dreg:$0xa]  }
0x43: {  	[tilespmem:s21], [sflag:$0x2] =	stream.indirect.gather [hbm4b:s4+s19], $0x40, s19, s19, $0xb8;
	[tilespmem:$0x11D00] =	vst v63  }
0x44: {  	s23 =	simm.s32 $0x100;
	s25 =	simm.s32 $0x5900;
	s6 =	rddreg [dreg:$0x9]  }
0x45: {  	[tilespmem:s25], [sflag:$0x3] =	stream.indirect.gather [hbm4b:s4+s19], $0x40, s23, s19, $0xb8;
	[tilespmem:$0x11D00] =	vst v63  }
0x46: {  	s26 =	simm.s32 $0x180;
	s28 =	simm.s32 $0x7900;
	s20 =	rddreg [dreg:$0x10]  }
0x47: {  	[tilespmem:s28], [sflag:$0x4] =	stream.indirect.gather [hbm4b:s4+s19], $0x40, s26, s19, $0xb8;
	[tilespmem:$0x11D00] =	vst v63  }
0x48: {  	s30 =	simm.s32 $0x200;
	s21 =	rddreg [dreg:$0x11]  }
0x49: {  	[tilespmem:s22], [sflag:$0x5] =	stream.indirect.gather [hbm4b:s4+s19], $0x40, s30, s19, $0xb8;
	[tilespmem:$0x11D00] =	vst v63  }
0x4a: {  	s23 =	simm.s32 $0x0;
	s19 =	rddreg [dreg:$0xf]  }
.LBB2_2:
0x4b: {  	s1 =	smulhi.u32 $0x51EB851F, s21  }
0x4c: {  	s5 =	smulhi.u32 $0x51EB851F, s19  }
0x4d: {  	s8 =	smulhi.u32 $0x51EB851F, s12  }
0x4e: {  	s25 =	smulhi.u32 $0x51EB851F, s14  }
0x4f: {  	s26 =	smulhi.u32 $0x51EB851F, s15;
	s1 =	sshrl.u32 s1, $0x6  }
0x50: {  	s5 =	sshrl.u32 s5, $0x6;
	s1 =	smul.u32 $0xFFFF3800, s1  }
0x51: {  	s9 =	sshrl.u32 s26, $0x6;
	s5 =	smul.u32 $0xFFFF3800, s5  }
0x52: {  	s26 =	smul.u32 $0xFFFF3800, s9  }
0x53: {  	s8 =	sshrl.u32 s8, $0x6;
	s25 =	sshrl.u32 s25, $0x6;
	s5 =	sshra.s32 s5, $0x2  }
0x54: {  	s1 =	sshra.s32 s1, $0x2;
	s28 =	sadd.s32 s5, s18;
	s5 =	sshra.s32 s26, $0x2  }
0x55: {  	s17 =	sadd.s32 s1, s20;
	s1 =	smul.u32 $0xFFFF3800, s8;
	s5 =	sadd.s32 s5, s6  }
0x56: {  	_ =	swait.ge [sflag:s24], $0x2000;
	s8 =	smul.u32 $0xFFFF3800, s25;
	v0 =	vmov s5  }
0x57: {  	[sflag:s24] =	ssyncset.done $0x0;
	s26 =	smul.u32 $0x5, s23  }
0x58: {  	[sflag:s24] =	ssyncadd.s32 $0xFFFFE000;
	s1 =	sshra.s32 s1, $0x2  }
0x59: {  	s8 =	sshra.s32 s8, $0x2;
	s30 =	sadd.s32 s10, s26;
	s5 =	simm.s32 $0x0  }
0x5a: {  	s1 =	sadd.s32 s1, s13;
	s25 =	sadd.s32 s8, s6;
	s8 =	simm.s32 $0x100  }
.LBB2_3:
0x5b: {  	p0 =	sne.s32 s8, $0x7F00;
	v1 =	vld.idx.msk [tilespmem:v0+s5+$0x0 ss:$0x1], $0xffff;
	_ =	sdelay $0x5  }
0x5c: {  	[tilespmem:s5+$0x1900] =	vst.add.f32.msk $0xffff, v1  }
0x5d: {  	v1 =	vld.idx.msk [tilespmem:v0+s5+$0x10 ss:$0x1], $0xffff;
	_ =	sdelay $0x5  }
0x5e: {  	[tilespmem:s5+$0x1910] =	vst.add.f32.msk $0xffff, v1  }
0x5f: {  	v1 =	vld.idx.msk [tilespmem:v0+s5+$0x20 ss:$0x1], $0xffff;
	_ =	sdelay $0x5  }
0x60: {  	[tilespmem:s5+$0x1920] =	vst.add.f32.msk $0xffff, v1  }
0x61: {  	v1 =	vld.idx.msk [tilespmem:v0+s5+$0x30 ss:$0x1], $0xffff;
	_ =	sdelay $0x1  }
.Ltmp2:
0x62: {  	(pc) =	sbr.rel @p0 .LBB2_3-.Ltmp2, $2  }
0x63: {  	_ =	sdelay $0x2  }
0x64: {  	[tilespmem:s5+$0x1930] =	vst.add.f32.msk $0xffff, v1;
	s5 =	sshra.s32 s8, $0x2;
	s8 =	sadd.s32 $0x100, s8  }
0x65: {  	_ =	sdelay $0x3  }
0x66: {  	v1 =	vld.idx.msk [tilespmem:v0+s5+$0x0 ss:$0x1], $0xffff;
	_ =	sdelay $0x4  }
0x67: {  	[tilespmem:s5+$0x1900] =	vst.add.f32.msk $0xffff, v1  }
0x68: {  	v1 =	vld.idx.msk [tilespmem:v0+s5+$0x10 ss:$0x1], $0xffff;
	_ =	sdelay $0x4  }
0x69: {  	[tilespmem:s5+$0x1910] =	vst.add.f32.msk $0xffff, v1  }
0x6a: {  	v1 =	vld.idx.msk [tilespmem:v0+s5+$0x20 ss:$0x1], $0xffff;
	_ =	sdelay $0x4  }
0x6b: {  	[tilespmem:s5+$0x1920] =	vst.add.f32.msk $0xffff, v1  }
0x6c: {  	v0 =	vld.idx.msk [tilespmem:v0+s5+$0x30 ss:$0x1], $0xffff;
	_ =	sdelay $0x3  }
0x6d: {  	s8 =	sshll.u32 s30, $0xA  }
0x6e: {  	s9 =	simm.s32 $0x1900;
	p0 =	seq.s32 s23, $0x9;
	s8 =	sadd.s32 s2, s8;
	[tilespmem:s5+$0x1930] =	vst.add.f32.msk $0xffff, v0  }
0x6f: {  	[hbm4b:s8+s3] =	stream.linear.scatter [tilespmem:s9], [sflag:$0x6], $0x2000, $0x38;
	[tilespmem:$0x11D00] =	vst v63  }
0x70: {  	s5 =	simm.s32 @!p0 $0x6;
	s8 =	smul.u32 @!p0 $0xA00, s23  }
0x71: {  	_ =	swait.ge @!p0 [sflag:s5], $0x2000  }
0x72: {  	s9 =	simm.s32 @!p0 $0x1900;
	[sflag:s5] =	ssyncset.done @!p0 $0x0;
	s30 =	sshra.s32 @!p0 s8, $0x2  }
0x73: {  	v0 =	vmov s25;
	s8 =	simm.s32 @!p0 $0x80;
	[sflag:s5] =	ssyncadd.s32 @!p0 $0xFFFFE000;
	s5 =	sadd.s32 @!p0 $0x280, s30  }
0x74: {  	[tilespmem:s9], [sflag:$0x1] =	stream.indirect.gather @!p0 [hbm4b:s4+s8], $0x40, s5, s8, $0xb8;
	[tilespmem:$0x11D00] =	vst v63  }
0x75: {  	_ =	swait.ge [sflag:s29], $0x2000  }
0x76: {  	s25 =	simm.s32 $0x0;
	[sflag:s29] =	ssyncset.done $0x0;
	s9 =	rddreg [dreg:$0x5]  }
0x77: {  	s8 =	simm.s32 $0x100;
	[sflag:s29] =	ssyncadd.s32 $0xFFFFE000;
	s5 =	sadd.s32 s9, s26  }
.LBB2_5:
0x78: {  	p1 =	sne.s32 s8, $0x7F00;
	v1 =	vld.idx.msk [tilespmem:v0+s25+$0x2000 ss:$0x1], $0xffff;
	_ =	sdelay $0x5  }
0x79: {  	[tilespmem:s25+$0x3900] =	vst.add.f32.msk $0xffff, v1  }
0x7a: {  	v1 =	vld.idx.msk [tilespmem:v0+s25+$0x2010 ss:$0x1], $0xffff;
	_ =	sdelay $0x5  }
0x7b: {  	[tilespmem:s25+$0x3910] =	vst.add.f32.msk $0xffff, v1  }
0x7c: {  	v1 =	vld.idx.msk [tilespmem:v0+s25+$0x2020 ss:$0x1], $0xffff;
	_ =	sdelay $0x5  }
0x7d: {  	[tilespmem:s25+$0x3920] =	vst.add.f32.msk $0xffff, v1  }
0x7e: {  	v1 =	vld.idx.msk [tilespmem:v0+s25+$0x2030 ss:$0x1], $0xffff;
	_ =	sdelay $0x1  }
.Ltmp3:
0x7f: {  	(pc) =	sbr.rel @p1 .LBB2_5-.Ltmp3, $2  }
0x80: {  	_ =	sdelay $0x2  }
0x81: {  	[tilespmem:s25+$0x3930] =	vst.add.f32.msk $0xffff, v1;
	s25 =	sshra.s32 s8, $0x2;
	s8 =	sadd.s32 $0x100, s8  }
0x82: {  	_ =	sdelay $0x3  }
0x83: {  	v1 =	vld.idx.msk [tilespmem:v0+s25+$0x2000 ss:$0x1], $0xffff;
	_ =	sdelay $0x4  }
0x84: {  	[tilespmem:s25+$0x3900] =	vst.add.f32.msk $0xffff, v1  }
0x85: {  	v1 =	vld.idx.msk [tilespmem:v0+s25+$0x2010 ss:$0x1], $0xffff;
	_ =	sdelay $0x4  }
0x86: {  	[tilespmem:s25+$0x3910] =	vst.add.f32.msk $0xffff, v1  }
0x87: {  	v1 =	vld.idx.msk [tilespmem:v0+s25+$0x2020 ss:$0x1], $0xffff;
	_ =	sdelay $0x4  }
0x88: {  	[tilespmem:s25+$0x3920] =	vst.add.f32.msk $0xffff, v1  }
0x89: {  	v0 =	vld.idx.msk [tilespmem:v0+s25+$0x2030 ss:$0x1], $0xffff;
	_ =	sdelay $0x2  }
0x8a: {  	s5 =	sshll.u32 s5, $0xA  }
0x8b: {  	s5 =	sand.u32 $0x1FFFFC00, s5  }
0x8c: {  	s8 =	simm.s32 $0x3900;
	s5 =	sadd.s32 s2, s5;
	[tilespmem:s25+$0x3930] =	vst.add.f32.msk $0xffff, v0  }
0x8d: {  	[hbm4b:s5+s3] =	stream.linear.scatter [tilespmem:s8], [sflag:$0x7], $0x2000, $0x38;
	[tilespmem:$0x11D00] =	vst v63  }
0x8e: {  	s5 =	simm.s32 @!p0 $0x7  }
0x8f: {  	_ =	swait.ge @!p0 [sflag:s5], $0x2000  }
0x90: {  	s9 =	simm.s32 @!p0 $0x3900;
	[sflag:s5] =	ssyncset.done @!p0 $0x0  }
0x91: {  	v0 =	vmov s1;
	s8 =	simm.s32 @!p0 $0x80;
	[sflag:s5] =	ssyncadd.s32 @!p0 $0xFFFFE000;
	s5 =	sadd.s32 @!p0 $0x300, s30  }
0x92: {  	[tilespmem:s9], [sflag:$0x2] =	stream.indirect.gather @!p0 [hbm4b:s4+s8], $0x40, s5, s8, $0xb8;
	[tilespmem:$0x11D00] =	vst v63  }
0x93: {  	_ =	swait.ge [sflag:s31], $0x2000  }
0x94: {  	s1 =	simm.s32 $0x0;
	[sflag:s31] =	ssyncset.done $0x0;
	s25 =	rddreg [dreg:$0x6]  }
0x95: {  	s8 =	simm.s32 $0x100;
	[sflag:s31] =	ssyncadd.s32 $0xFFFFE000;
	s5 =	sadd.s32 s25, s26  }
.LBB2_7:
0x96: {  	p1 =	sne.s32 s8, $0x7F00;
	v1 =	vld.idx.msk [tilespmem:v0+s1+$0xFFFFFFE0 ss:$0x1], $0xffff;
	_ =	sdelay $0x5  }
0x97: {  	[tilespmem:s1+$0x5900] =	vst.add.f32.msk $0xffff, v1  }
0x98: {  	v1 =	vld.idx.msk [tilespmem:v0+s1+$0xFFFFFFF0 ss:$0x1], $0xffff;
	_ =	sdelay $0x5  }
0x99: {  	[tilespmem:s1+$0x5910] =	vst.add.f32.msk $0xffff, v1  }
0x9a: {  	v1 =	vld.idx.msk [tilespmem:v0+s1+$0x0 ss:$0x1], $0xffff;
	_ =	sdelay $0x5  }
0x9b: {  	[tilespmem:s1+$0x5920] =	vst.add.f32.msk $0xffff, v1  }
0x9c: {  	v1 =	vld.idx.msk [tilespmem:v0+s1+$0x10 ss:$0x1], $0xffff;
	_ =	sdelay $0x1  }
.Ltmp4:
0x9d: {  	(pc) =	sbr.rel @p1 .LBB2_7-.Ltmp4, $2  }
0x9e: {  	_ =	sdelay $0x2  }
0x9f: {  	[tilespmem:s1+$0x5930] =	vst.add.f32.msk $0xffff, v1;
	s1 =	sshra.s32 s8, $0x2;
	s8 =	sadd.s32 $0x100, s8  }
0xa0: {  	_ =	sdelay $0x3  }
0xa1: {  	v1 =	vld.idx.msk [tilespmem:v0+s1+$0xFFFFFFE0 ss:$0x1], $0xffff;
	_ =	sdelay $0x4  }
0xa2: {  	[tilespmem:s1+$0x5900] =	vst.add.f32.msk $0xffff, v1  }
0xa3: {  	v1 =	vld.idx.msk [tilespmem:v0+s1+$0xFFFFFFF0 ss:$0x1], $0xffff;
	_ =	sdelay $0x4  }
0xa4: {  	[tilespmem:s1+$0x5910] =	vst.add.f32.msk $0xffff, v1  }
0xa5: {  	v1 =	vld.idx.msk [tilespmem:v0+s1+$0x0 ss:$0x1], $0xffff;
	_ =	sdelay $0x4  }
0xa6: {  	[tilespmem:s1+$0x5920] =	vst.add.f32.msk $0xffff, v1  }
0xa7: {  	v0 =	vld.idx.msk [tilespmem:v0+s1+$0x10 ss:$0x1], $0xffff;
	_ =	sdelay $0x2  }
0xa8: {  	s5 =	sshll.u32 s5, $0xA  }
0xa9: {  	s5 =	sand.u32 $0x1FFFFC00, s5  }
0xaa: {  	s9 =	simm.s32 $0x5900;
	s8 =	sadd.s32 s2, s5;
	[tilespmem:s1+$0x5930] =	vst.add.f32.msk $0xffff, v0;
	s1 =	simm.s32 @!p0 $0x8  }
0xab: {  	[hbm4b:s8+s3] =	stream.linear.scatter [tilespmem:s9], [sflag:$0x8], $0x2000, $0x38;
	[tilespmem:$0x11D00] =	vst v63  }
0xac: {  	_ =	swait.ge @!p0 [sflag:s1], $0x2000  }
0xad: {  	s5 =	simm.s32 @!p0 $0x80;
	[sflag:s1] =	ssyncset.done @!p0 $0x0  }
0xae: {  	v0 =	vmov s28;
	s8 =	simm.s32 @!p0 $0x5900;
	[sflag:s1] =	ssyncadd.s32 @!p0 $0xFFFFE000;
	s1 =	sadd.s32 @!p0 $0x380, s30  }
0xaf: {  	[tilespmem:s8], [sflag:$0x3] =	stream.indirect.gather @!p0 [hbm4b:s4+s5], $0x40, s1, s5, $0xb8;
	[tilespmem:$0x11D00] =	vst v63  }
0xb0: {  	_ =	swait.ge [sflag:s0], $0x2000  }
0xb1: {  	s5 =	simm.s32 $0x0;
	[sflag:s0] =	ssyncset.done $0x0;
	s25 =	rddreg [dreg:$0x7]  }
0xb2: {  	s8 =	simm.s32 $0x100;
	[sflag:s0] =	ssyncadd.s32 $0xFFFFE000;
	s1 =	sadd.s32 s25, s26  }
.LBB2_9:
0xb3: {  	p1 =	sne.s32 s8, $0x7F00;
	v1 =	vld.idx.msk [tilespmem:v0+s5+$0xFFFFFFE0 ss:$0x1], $0xffff;
	_ =	sdelay $0x5  }
0xb4: {  	[tilespmem:s5+$0x7900] =	vst.add.f32.msk $0xffff, v1  }
0xb5: {  	v1 =	vld.idx.msk [tilespmem:v0+s5+$0xFFFFFFF0 ss:$0x1], $0xffff;
	_ =	sdelay $0x5  }
0xb6: {  	[tilespmem:s5+$0x7910] =	vst.add.f32.msk $0xffff, v1  }
0xb7: {  	v1 =	vld.idx.msk [tilespmem:v0+s5+$0x0 ss:$0x1], $0xffff;
	_ =	sdelay $0x5  }
0xb8: {  	[tilespmem:s5+$0x7920] =	vst.add.f32.msk $0xffff, v1  }
0xb9: {  	v1 =	vld.idx.msk [tilespmem:v0+s5+$0x10 ss:$0x1], $0xffff;
	_ =	sdelay $0x1  }
.Ltmp5:
0xba: {  	(pc) =	sbr.rel @p1 .LBB2_9-.Ltmp5, $2  }
0xbb: {  	_ =	sdelay $0x2  }
0xbc: {  	[tilespmem:s5+$0x7930] =	vst.add.f32.msk $0xffff, v1;
	s5 =	sshra.s32 s8, $0x2;
	s8 =	sadd.s32 $0x100, s8  }
0xbd: {  	_ =	sdelay $0x3  }
0xbe: {  	v1 =	vld.idx.msk [tilespmem:v0+s5+$0xFFFFFFE0 ss:$0x1], $0xffff;
	_ =	sdelay $0x4  }
0xbf: {  	[tilespmem:s5+$0x7900] =	vst.add.f32.msk $0xffff, v1  }
0xc0: {  	v1 =	vld.idx.msk [tilespmem:v0+s5+$0xFFFFFFF0 ss:$0x1], $0xffff;
	_ =	sdelay $0x4  }
0xc1: {  	[tilespmem:s5+$0x7910] =	vst.add.f32.msk $0xffff, v1  }
0xc2: {  	v1 =	vld.idx.msk [tilespmem:v0+s5+$0x0 ss:$0x1], $0xffff;
	_ =	sdelay $0x4  }
0xc3: {  	[tilespmem:s5+$0x7920] =	vst.add.f32.msk $0xffff, v1  }
0xc4: {  	v0 =	vld.idx.msk [tilespmem:v0+s5+$0x10 ss:$0x1], $0xffff;
	_ =	sdelay $0x2  }
0xc5: {  	s1 =	sshll.u32 s1, $0xA  }
0xc6: {  	s1 =	sand.u32 $0x1FFFFC00, s1  }
0xc7: {  	s28 =	simm.s32 $0x7900;
	s1 =	sadd.s32 s2, s1;
	[tilespmem:s5+$0x7930] =	vst.add.f32.msk $0xffff, v0  }
0xc8: {  	[hbm4b:s1+s3] =	stream.linear.scatter [tilespmem:s28], [sflag:$0x9], $0x2000, $0x38;
	[tilespmem:$0x11D00] =	vst v63  }
0xc9: {  	s1 =	simm.s32 @!p0 $0x9  }
0xca: {  	_ =	swait.ge @!p0 [sflag:s1], $0x2000  }
0xcb: {  	s8 =	simm.s32 @!p0 $0x7900;
	[sflag:s1] =	ssyncset.done @!p0 $0x0  }
0xcc: {  	s5 =	simm.s32 @!p0 $0x80;
	v0 =	vmov s17;
	[sflag:s1] =	ssyncadd.s32 @!p0 $0xFFFFE000;
	s1 =	sadd.s32 @!p0 $0x400, s30  }
0xcd: {  	[tilespmem:s8], [sflag:$0x4] =	stream.indirect.gather @!p0 [hbm4b:s4+s5], $0x40, s1, s5, $0xb8;
	[tilespmem:$0x11D00] =	vst v63  }
0xce: {  	_ =	swait.ge [sflag:s7], $0x2000  }
0xcf: {  	s1 =	sadd.s32 s11, s26;
	[sflag:s7] =	ssyncset.done $0x0  }
0xd0: {  	s5 =	simm.s32 $0x0;
	s8 =	simm.s32 $0x100;
	[sflag:s7] =	ssyncadd.s32 $0xFFFFE000  }
.LBB2_11:
0xd1: {  	p1 =	sne.s32 s8, $0x7F00;
	v1 =	vld.idx.msk [tilespmem:v0+s5+$0xFFFFFFE0 ss:$0x1], $0xffff;
	_ =	sdelay $0x5  }
0xd2: {  	[tilespmem:s5+$0x9900] =	vst.add.f32.msk $0xffff, v1  }
0xd3: {  	v1 =	vld.idx.msk [tilespmem:v0+s5+$0xFFFFFFF0 ss:$0x1], $0xffff;
	_ =	sdelay $0x5  }
0xd4: {  	[tilespmem:s5+$0x9910] =	vst.add.f32.msk $0xffff, v1  }
0xd5: {  	v1 =	vld.idx.msk [tilespmem:v0+s5+$0x0 ss:$0x1], $0xffff;
	_ =	sdelay $0x5  }
0xd6: {  	[tilespmem:s5+$0x9920] =	vst.add.f32.msk $0xffff, v1  }
0xd7: {  	v1 =	vld.idx.msk [tilespmem:v0+s5+$0x10 ss:$0x1], $0xffff;
	_ =	sdelay $0x1  }
.Ltmp6:
0xd8: {  	(pc) =	sbr.rel @p1 .LBB2_11-.Ltmp6, $2  }
0xd9: {  	_ =	sdelay $0x2  }
0xda: {  	[tilespmem:s5+$0x9930] =	vst.add.f32.msk $0xffff, v1;
	s5 =	sshra.s32 s8, $0x2;
	s8 =	sadd.s32 $0x100, s8  }
0xdb: {  	_ =	sdelay $0x3  }
0xdc: {  	v1 =	vld.idx.msk [tilespmem:v0+s5+$0xFFFFFFE0 ss:$0x1], $0xffff;
	_ =	sdelay $0x4  }
0xdd: {  	[tilespmem:s5+$0x9900] =	vst.add.f32.msk $0xffff, v1  }
0xde: {  	v1 =	vld.idx.msk [tilespmem:v0+s5+$0xFFFFFFF0 ss:$0x1], $0xffff;
	_ =	sdelay $0x4  }
0xdf: {  	[tilespmem:s5+$0x9910] =	vst.add.f32.msk $0xffff, v1  }
0xe0: {  	v1 =	vld.idx.msk [tilespmem:v0+s5+$0x0 ss:$0x1], $0xffff;
	_ =	sdelay $0x4  }
0xe1: {  	[tilespmem:s5+$0x9920] =	vst.add.f32.msk $0xffff, v1  }
0xe2: {  	v63 =	vld.idx.msk [tilespmem:v0+s5+$0x10 ss:$0x1], $0xffff;
	_ =	sdelay $0x1  }
.Ltmp7:
0xe3: {  	_ = 	snop;
	(pc) =	sbr.rel @p0 .LBB2_14-.Ltmp7, $4  }
0xe4: {  	s1 =	sshll.u32 s1, $0xA  }
0xe5: {  	s1 =	sand.u32 $0x1FFFFC00, s1  }
0xe6: {  	s1 =	sadd.s32 s2, s1;
	[tilespmem:s5+$0x9930] =	vst.add.f32.msk $0xffff, v63  }
0xe7: {  	[hbm4b:s1+s3] =	stream.linear.scatter [tilespmem:s22], [sflag:$0xA], $0x2000, $0x38;
	[tilespmem:$0x11D00] =	vst v63  }
0xe8: {  	s1 =	smul.u32 $0xA00, s23;
	_ =	swait.ge [sflag:s16], $0x2000;
	s5 =	simm.s32 $0x80  }
0xe9: {  	s23 =	sadd.s32 $0x1, s23;
	s6 =	sadd.s32 $0xA000, s6;
	s15 =	sadd.s32 $0x280, s15  }
.Ltmp8:
0xea: {  	s14 =	sadd.s32 $0x280, s14;
	s13 =	sadd.s32 $0xA000, s13;
	(pc) =	sbr.rel .LBB2_2-.Ltmp8, $4  }
0xeb: {  	s12 =	sadd.s32 $0x280, s12;
	s18 =	sadd.s32 $0xA000, s18;
	s19 =	sadd.s32 $0x280, s19  }
0xec: {  	s20 =	sadd.s32 $0xA000, s20;
	[sflag:s16] =	ssyncset.done $0x0;
	s1 =	sshra.s32 s1, $0x2  }
0xed: {  	s21 =	sadd.s32 $0x280, s21;
	[sflag:s16] =	ssyncadd.s32 $0xFFFFE000;
	s1 =	sadd.s32 $0x480, s1  }
0xee: {  	[tilespmem:s22], [sflag:$0x5] =	stream.indirect.gather [hbm4b:s4+s5], $0x40, s1, s5, $0xb8;
	[tilespmem:$0x11D00] =	vst v63  }
.LBB2_15:
0xef: {  	_ =	sfence.sel $0x180000  }
0xf0: {  	[bflag:$0x0] =	sbarrier.arrive $0xFFFF  }
0xf1: {  	_ =	strace $0x90000047  }
0xf2: {  	s0 =	stileid.u32;
	[bflag:$0x2] =	sbarrier.arrive $0xFFFF  }
0xf3: {  	p0 =	sne.s32 s0, $0x0;
	s0 =	rddreg [dreg:$0x2]  }
0xf4: {  	s0 =	sadd.s32 @!p0 $0x100000, s0  }
0xf5: {  	[sflag:s0] =	ssyncadd.tile.s32 @!p0 $0x1;
	_ =	shalt  }
.Lfunc_end2:
_tile_overlayer_lowered:
.L_overlay_start_2:
0xf6: {  	(tag) =	ssettag $0x2  }
0xf7: {  	s0 =	rddreg [dreg:$0x0];
	s2 =	stileid.u32  }
0xf8: {  	s1 =	rddreg [dreg:$0x1];
	p0 =	sne.s32 s2, $0x0  }
0xf9: {  	s3 =	rddreg [dreg:$0x2];
	[bflag:$0x3] =	sbarrier.arrive $0xFFFF;
	s2 =	simm.s32 @!p0 $0x1C0B  }
0xfa: {  	[timem:s3], [sflag:s2] =	dma.local @!p0 [hbm:s0], s1  }
0xfb: {  	s0 =	simm.s32 @!p0 $0xB  }
0xfc: {  	_ =	swait.ge @!p0 [sflag:s0], s1  }
0xfd: {  	s1 =	ssub.s32 @!p0 $0x0, s1;
	[sflag:s0] =	ssyncset.done @!p0 $0x0  }
0xfe: {  	[sflag:s0] =	ssyncadd.s32 @!p0 s1  }
0xff: {  	[bflag:$0x3] =	sbarrier.arrive $0xFFFF  }
0x100: {  	_ =	shalt  }

// kernel: sparse-core-data-format-call.cloned.1.call-start
scs
called_computation_lowered:
.L_overlay_start_0:
0x0: {  	s2 =	sld [smem:$0x3FD9]  }
0x1: {  	s3 =	sld [smem:$0x3FFE];
	_ =	sdelay $0x1  }
0x2: {  	s1 =	srdreg.scid  }
0x3: {  	s0 =	sand.u32 $0x1, s1  }
0x4: {  	s18 =	sshll.u32 s0, $0xA;
	s2 =	sadd.s32 s3, s2  }
0x5: {  	s2 =	sadd.s32 s2, s18  }
0x6: {  	[smem:$0x3FC5] =	sst s2  }
0x7: {  	_ = 	snop  }
0x8: {  	s2 =	sld [smem:$0x3FD0];
	(tm) =	ssettm $0x1  }
0x9: {  	s19 =	sld [smem:$0x3FFB];
	_ =	sdelay $0x3  }
0xa: {  	_ =	strace s19  }
0xb: {  	s3 =	sld [smem:$0x3FFC];
	_ =	sdelay $0x3  }
0xc: {  	_ =	strace s3  }
0xd: {  	s3 =	sld [smem:$0x3FFD];
	_ =	sdelay $0x3  }
0xe: {  	_ =	strace s3  }
0xf: {  	_ =	strace $0x8FFFFFFF  }
0x10: {  	s20 =	sld [smem:$0x3FDB];
	_ =	sdelay $0x1  }
0x11: {  	s4 =	simm.s32 $_scs_section_size  }
0x12: {  	s5 =	simm.s32 $_size__tile_overlayer_lowered;
	s6 =	simm.s32 $_tile_overlayer_lowered  }
0x13: {  	s23 =	simm.s32 $0x1BFF;
	s22 =	sshll.u32 s6, $0x1;
	s3 =	sadd.s32 s4, s20  }
0x14: {  	s7 =	simm.s32 $0x0;
	s21 =	sshll.u32 s5, $0x1;
	s5 =	sadd.s32 s22, s3  }
0x15: {  	[timem:s7], [sflag:s23] =	dma.local [hbm:s5], s21  }
0x16: {  	_ =	swait.ge [sflag:s23], s21  }
0x17: {  	s4 =	ssub.s32 $0x0, s21;
	[sflag:s23] =	ssyncset.done $0x0  }
0x18: {  	[sflag:s23] =	ssyncadd.s32 s4;
	_ =	sdelay $0x1  }
0x19: {  	s24 =	simm.s32 $0x1B8B  }
0x1a: {  	_ =	swait.ge [sflag:s24], $0x1  }
0x1b: {  	[sflag:s24] =	ssyncset.done $0x0  }
0x1c: {  	s26 =	simm.s32 $0x1B8E;
	s25 =	sld [smem:$0x3FFE];
	[sflag:s24] =	ssyncadd.s32 $0xFFFFFFFF  }
0x1d: {  	s27 =	simm.s32 $execute0_lowered;
	[smem:$0x3FD2] =	sst s26  }
0x1e: {  	s5 =	sshll.u32 s27, $0x1;
	_ =	strace $0x80000049;
	[dreg:$0x1] =	wrdreg $0xFFFFFFFF  }
0x1f: {  	s28 =	simm.s32 $_size_execute0_lowered;
	s3 =	sadd.s32 s3, s5;
	[dreg:$0x0] =	wrdreg $0x0  }
0x20: {  	s5 =	sshll.u32 s28, $0x1;
	[dreg:$0x2] =	wrdreg s3  }
0x21: {  	[dreg:$0x3] =	wrdreg s5  }
0x22: {  	[dreg:$0x4] =	wrdreg $0xC0  }
0x23: {  	_ =	task [dreg:s7], $0x5FFFF  }
0x24: {  	[dreg:$0x1] =	wrdreg $0xFFFFFFFF  }
0x25: {  	[dreg:$0x0] =	wrdreg $0x60  }
0x26: {  	[dreg:$0x2] =	wrdreg s25  }
0x27: {  	[dreg:$0x3] =	wrdreg s2  }
0x28: {  	[dreg:$0x4] =	wrdreg $0x9  }
0x29: {  	_ =	task.clear_ibuf [dreg:s7], $0x5FFFF;
	_ =	strace $0x90000049  }
0x2a: {  	s29 =	simm.s32 $0x9;
	_ =	strace $0x8000004B  }
0x2b: {  	_ =	swait.ge [sflag:s29], $0x1  }
0x2c: {  	[sflag:s29] =	ssyncadd.s32 $0xFFFFFFFF  }
0x2d: {  	_ =	strace $0x9000004B  }
0x2e: {  	_ =	sfence  }
0x2f: {  	s30 =	sld [smem:$0x0];
	_ =	sdelay $0x2  }
0x30: {  	s31 =	sshll.u32 s1, $0xD;
	s1 =	sshrl.u32 s1, $0x2  }
0x31: {  	s3 =	sand.u32 $0x4000, s31;
	s1 =	sadd.s32 s1, s30  }
0x32: {  	s0 =	sor.u32 s3, s0;
	s1 =	sshll.u32 s1, $0x11  }
0x33: {  	s0 =	sor.u32 s1, s0  }
0x34: {  	s0 =	sadd.s32 $0x8F2B, s0  }
0x35: {  	[sflag:s0] =	ssyncadd.remote.s32 $0x1  }
0x36: {  	_ =	sfence.sel $0xFFFF  }
0x37: {  	[dreg:$0x0] =	wrdreg $0xFFFFFFFF;
	(pc) =	sbr.abs _section_cstart, $3  }
0x38: {  	[dreg:$0x1] =	wrdreg $0xFFFFFFFF  }
0x39: {  	_ =	task.clear_ibuf [dreg:s7], $0x2FFFF;
	_ =	strace $0x9FFFFFFF  }
0x3a: {  	(tm) =	ssettm $0x7FFFFFFF  }
0x3b: {  	_ =	shalt  }
tec
execute0_lowered:
.L_overlay_start_1:
0x0: {  	(tag) =	ssettag $0x1  }
0x1: {  	s0 =	srdreg.scid  }
0x2: {  	s1 =	sshll.u32 s0, $0x4  }
0x3: {  	s4 =	rddreg [dreg:$0x0];
	s0 =	stileid.u32;
	s1 =	sand.u32 $0x10, s1  }
0x4: {  	s2 =	rddreg [dreg:$0x1];
	s7 =	simm.s32 $0x1;
	s1 =	sor.u32 s0, s1  }
0x5: {  	s8 =	simm.s32 $0x2;
	s11 =	simm.s32 $0x0;
	s3 =	sshll.u32 s1, $0x7  }
0x6: {  	s10 =	simm.s32 $0x0;
	s4 =	sadd.s32 $0xC00, s4;
	s6 =	ssub.s32 $0x32000, s3  }
.Ltmp0:
0x7: {  	s1 =	rddreg [dreg:$0x2];
	s5 =	sand.u32 $0xF80, s6;
	(pc) =	sbr.rel .LBB1_1-.Ltmp0, $4  }
0x8: {  	_ =	strace $0x8000004A;
	s9 =	smov.u32 s3;
	p0 =	sne.s32 s5, $0x0  }
0x9: {  	s6 =	sshrl.u32 s6, $0xC;
	s5 =	simm.s32 $0x1;
	s7 =	simm.s32 @!p0 $0x0  }
0xa: {  	[sflag:s5] =	ssyncpa.u1 $0x0;
	p0 =	por $0x0, $0x0;
	s6 =	sadd.s32 s7, s6  }
0xb: {  	[sflag:s8] =	ssyncpa.u1 $0x0;
	s8 =	simm.s32 $0x190000;
	s7 =	sadd.s32 $0x1, s6  }
.LBB1_4:
0xc: {  	s14 =	sshll.u32 s11, $0x3  }
0xd: {  	s30 =	sand.u32 $0x7F, s11;
	s15 =	sand.u32 $0xFFFFFC00, s14  }
0xe: {  	s11 =	sor.u32 s30, s15  }
0xf: {  	s15 =	smulhi.u32 $0x51EB851F, s11  }
0x10: {  	s14 =	smulhi.u32 $0x51EB851F, s14  }
0x11: {  	s15 =	sshrl.u32 s15, $0x10  }
0x12: {  	s14 =	sshrl.u32 s14, $0x10;
	s15 =	smul.u32 $0x32000, s15  }
0x13: {  	s14 =	sand.u32 $0x3F, s14  }
0x14: {  	s14 =	smul.u32 $0x6400, s14;
	s11 =	ssub.s32 s11, s15  }
0x15: {  	[tilespmem:s13+$0x810 ss:$0x81] =	vst.msk $0xffff, v2;
	s15 =	sand.u32 $0x7, s11  }
0x16: {  	[tilespmem:s13+$0x1020 ss:$0x81] =	vst.msk $0xffff, v0;
	s14 =	sadd.s32 s2, s14;
	s11 =	sshrl.u32 s11, $0x3;
	s15 =	sshll.u32 s15, $0x12  }
0x17: {  	[tilespmem:s13+$0x0 ss:$0x81] =	vst.msk $0xffff, v1;
	s11 =	sadd.s32 s11, s14;
	s31 =	sor.u32 $0x400, s15  }
0x18: {  	[hbm4b:s11+s31] =	stream.strided.scatter [tilespmem:s12], [sflag:$0x2], $0x2000, s8, s31, $0x20;
	[tilespmem:$0x8080] =	vst v63  }
.LBB1_5:
0x19: {  	s13 =	sadd.s32 $0x1000, s9  }
0x1a: {  	p2 =	sgt.s32 s13, $0x31FFF  }
0x1b: {  	s13 =	smov.u32 @p2 s3;
	p2 =	sne.s32 s10, s7  }
.Ltmp1:
0x1c: {  	p1 =	slt.u32 s10, $0x2;
	(pc) =	sbr.rel @!p2 .LBB1_6-.Ltmp1, $4  }
0x1d: {  	s12 =	simm.s32 @!p1 $0x2  }
0x1e: {  	s14 =	sadd.s32 $0x1, s10;
	_ =	swait.ge @!p1 [sflag:s12], $0x2000  }
0x1f: {  	s11 =	smov.u32 s9;
	p0 =	por !p0, !p0;
	[sflag:s12] =	ssyncset.done @!p1 $0x0  }
0x20: {  	s10 =	smov.u32 s14;
	s9 =	smov.u32 s13;
	[sflag:s12] =	ssyncadd.s32 @!p1 $0xFFFFE000  }
.LBB1_1:
0x21: {  	p1 =	sge.u32 s10, s6  }
0x22: {  	s12 =	sand.u32 @!p1 $0x1FFFFFF, s9  }
0x23: {  	s13 =	smulhi.u32 @!p1 $0x147AE15, s12;
	_ =	sdelay $0x1  }
0x24: {  	s13 =	sshrl.u32 @!p1 s13, $0xA  }
0x25: {  	s13 =	smul.u32 @!p1 $0x32000, s13;
	_ =	sdelay $0x1  }
0x26: {  	s31 =	sadd.s32 $0xFFFFFFFF, s10;
	s14 =	sxor.u32 @!p1 $0xFFFFFFFF, s10;
	s12 =	ssub.s32 @!p1 s12, s13  }
0x27: {  	s15 =	simm.s32 @!p1 $0x80;
	s14 =	sshll.u32 @!p1 s14, $0xD;
	s12 =	sshll.u32 @!p1 s12, $0x4  }
0x28: {  	s13 =	sand.u32 @!p1 $0x2000, s14;
	s14 =	simm.s32 @!p1 $0x40;
	s12 =	sadd.s32 @!p1 s4, s12  }
0x29: {  	[tilespmem:s13], [sflag:$0x1] =	stream.strided.gather @!p1 [hbm4b:s12+s14], $0x2000, s15, s14, $0x38;
	[tilespmem:$0x8080] =	vst v63  }
0x2a: {  	p1 =	sge.u32 s31, s6  }
.Ltmp2:
0x2b: {  	_ = 	snop;
	(pc) =	sbr.rel @p1 .LBB1_5-.Ltmp2, $1  }
0x2c: {  	_ =	sdelay $0x3  }
0x2d: {  	s12 =	simm.s32 $0x1  }
0x2e: {  	_ =	swait.ge [sflag:s5], $0x2000;
	s12 =	simm.s32 @!p0 $0x0  }
0x2f: {  	[sflag:s5] =	ssyncset.done $0x0;
	s13 =	sshll.u32 s12, $0xD  }
0x30: {  	[sflag:s5] =	ssyncadd.s32 $0xFFFFE000;
	s16 =	sor.u32 $0x20, s13  }
0x31: {  	s12 =	smul.u32 $0x8100, s12;
	v3 =	vld [tilespmem:s16+$0x10]  }
0x32: {  	s30 =	sand.u32 $0x1, s10;
	v2 =	vld [tilespmem:s16+$0xFFFFFFF0]  }
0x33: {  	s13 =	smul.u32 $0x8100, s30;
	s12 =	sshrl.u32 s12, $0x2;
	v0 =	vld [tilespmem:s16+$0x0]  }
0x34: {  	v1 =	vld [tilespmem:s16+$0xFFFFFFE0];
	s14 =	sor.u32 $0x4000, s12  }
0x35: {  	s31 =	sshrl.u32 s13, $0x2;
	s13 =	sadd.s32 $0x0, s14  }
0x36: {  	s15 =	simm.s32 $0x4;
	s16 =	sadd.s32 $0x40, s16;
	s12 =	sor.u32 $0x4000, s31;
	[tilespmem:s13+$0x1830 ss:$0x81] =	vst.msk $0xffff, v3  }
.LBB1_3:
0x37: {  	v3 =	vld [tilespmem:s16+$0x10];
	p1 =	sne.s32 s15, $0x1FC;
	[tilespmem:s13+$0x810 ss:$0x81] =	vst.msk $0xffff, v2;
	s17 =	smov.u32 s15;
	s15 =	sadd.s32 $0x4, s15  }
.Ltmp3:
0x38: {  	v2 =	vld [tilespmem:s16+$0xFFFFFFF0];
	[tilespmem:s13+$0x1020 ss:$0x81] =	vst.msk $0xffff, v0;
	(pc) =	sbr.rel @p1 .LBB1_3-.Ltmp3, $4  }
0x39: {  	v0 =	vld [tilespmem:s16+$0x0];
	[tilespmem:s13+$0x0 ss:$0x81] =	vst.msk $0xffff, v1  }
0x3a: {  	s13 =	sshra.s32 s17, $0x2;
	v1 =	vld [tilespmem:s16+$0xFFFFFFE0]  }
0x3b: {  	s13 =	sadd.s32 s13, s14  }
0x3c: {  	s16 =	sadd.s32 $0x40, s16;
	[tilespmem:s13+$0x1830 ss:$0x81] =	vst.msk $0xffff, v3  }
.Ltmp4:
0x3d: {  	_ = 	snop;
	(pc) =	sbr.rel .LBB1_4-.Ltmp4, $1  }
0x3e: {  	_ =	sdelay $0x3  }
.LBB1_6:
0x3f: {  	_ =	sfence.sel $0x180000  }
0x40: {  	s2 =	simm.s32 $0x1;
	[bflag:$0x0] =	sbarrier.arrive $0xFFFF  }
0x41: {  	s31 =	simm.s32 $0x2;
	[sflag:s2] =	ssyncpa.u1 $0x1  }
0x42: {  	[sflag:s31] =	ssyncpa.u1 $0x1  }
0x43: {  	p0 =	sne.s32 s0, $0x0;
	_ =	strace $0x9000004A  }
0x44: {  	s0 =	sadd.s32 @!p0 $0x100000, s1;
	[bflag:$0x2] =	sbarrier.arrive $0xFFFF  }
0x45: {  	[sflag:s0] =	ssyncadd.tile.s32 @!p0 $0x1;
	_ =	shalt  }
.Lfunc_end1:
_tile_overlayer_lowered:
.L_overlay_start_2:
0x46: {  	(tag) =	ssettag $0x2  }
0x47: {  	s0 =	rddreg [dreg:$0x0];
	s2 =	stileid.u32  }
0x48: {  	s1 =	rddreg [dreg:$0x1];
	p0 =	sne.s32 s2, $0x0  }
0x49: {  	s3 =	rddreg [dreg:$0x2];
	[bflag:$0x3] =	sbarrier.arrive $0xFFFF;
	s2 =	simm.s32 @!p0 $0x1C01  }
0x4a: {  	[timem:s3], [sflag:s2] =	dma.local @!p0 [hbm:s0], s1  }
0x4b: {  	s0 =	simm.s32 @!p0 $0x1  }
0x4c: {  	_ =	swait.ge @!p0 [sflag:s0], s1  }
0x4d: {  	s1 =	ssub.s32 @!p0 $0x0, s1;
	[sflag:s0] =	ssyncset.done @!p0 $0x0  }
0x4e: {  	[sflag:s0] =	ssyncadd.s32 @!p0 s1  }
0x4f: {  	[bflag:$0x3] =	sbarrier.arrive $0xFFFF  }
0x50: {  	_ =	shalt  }

</sc_bundles>
